<compile_context>
chip_gen: v7x
topology: tpu7x:2x2x1
jax: 0.10.2.dev20260603
libtpu: 0.0.44.dev20260713+nightly
codegen_flags: <defaults>
</compile_context>

<pallas_src>
import functools

import jax
import jax.numpy as jnp
from jax import lax
from jax.experimental import pallas as pl
from jax.experimental.pallas import tpu as pltpu
from jax.experimental.pallas import tpu_sc as plsc

NC = 2
NS = 16
NW = NC * NS

N = 10000
NP = 10240
RPT = NP // NS
E = 320000
EW = E // NW

H = 128
G = 64

SCH, SK = 5, 2000
RCH, RK = 80, 125

_mesh = lambda: plsc.VectorSubcoreMesh(core_axis_name="c", subcore_axis_name="s")
_f32 = jnp.float32


def _wid():
    c = lax.axis_index("c")
    s = lax.axis_index("s")
    return c, s, s * NC + c


def _fill_zeros_1d(ref, n):
    def body(i, _):
        ref[pl.ds(i * 16, 16)] = jnp.zeros((16,), _f32)
        return 0
    lax.fori_loop(0, n // 16, body, 0)



DCH = E // NS // SK


def _rsqrt_newton(d):
    i = lax.bitcast_convert_type(d, jnp.int32)
    i = jnp.int32(0x5F3759DF) - lax.shift_right_logical(i, 1)
    y = lax.bitcast_convert_type(i, _f32)
    for _ in range(3):
        y = y * (1.5 - 0.5 * d * y * y)
    return y


def _front_body(x_hbm, dsta_hbm, src_hbm, dst_hbm,
                dis_hbm, xp_hbm, t0_hbm, t1_hbm,
                dsta_v, src_v, dst_v, val_v, zer_v,
                xbuf_v, dbuf_v, ones_v, hist_s, xp_s, acc_s, sem):
    c, s, w = _wid()

    def fill1(i, _):
        ones_v[pl.ds(i * 16, 16)] = jnp.ones((16,), _f32)
        return 0
    lax.fori_loop(0, SK // 16, fill1, 0)
    _fill_zeros_1d(zer_v, RPT)

    pltpu.sync_copy(zer_v, hist_s.at[pl.ds(s * RPT, RPT)])
    pltpu.sync_copy(zer_v, acc_s.at[pl.ds(s * RPT, RPT)])
    pltpu.sync_copy(dsta_hbm.at[s], dsta_v)
    pltpu.sync_copy(src_hbm.at[w], src_v)
    pltpu.sync_copy(dst_hbm.at[w], dst_v)
    pltpu.sync_copy(x_hbm.at[pl.ds(s * RPT, RPT)], xbuf_v)
    plsc.subcore_barrier()

    for j in range(DCH):
        pltpu.sync_copy(ones_v, hist_s.at[dsta_v.at[j, 0]], add=True)
    plsc.subcore_barrier()

    pltpu.sync_copy(hist_s.at[pl.ds(s * RPT, RPT)], dbuf_v)

    def vec(i, _):
        deg = dbuf_v[pl.ds(i * 16, 16)] + 1.0
        dis = _rsqrt_newton(deg)
        dbuf_v[pl.ds(i * 16, 16)] = dis
        xbuf_v[pl.ds(i * 16, 16)] = dis * xbuf_v[pl.ds(i * 16, 16)]
        return 0
    lax.fori_loop(0, RPT // 16, vec, 0)

    pltpu.sync_copy(xbuf_v, xp_s.at[pl.ds(s * RPT, RPT)])

    @pl.when(c == 0)
    def _():
        pltpu.sync_copy(dbuf_v, dis_hbm.at[pl.ds(s * RPT, RPT)])
        pltpu.sync_copy(xbuf_v, xp_hbm.at[pl.ds(s * RPT, RPT)])
    plsc.subcore_barrier()

    for j in range(SCH):
        pltpu.async_copy(xp_s.at[src_v.at[j, 0]], val_v, sem).wait()
        pltpu.sync_copy(val_v, acc_s.at[dst_v.at[j, 0]], add=True)
    plsc.subcore_barrier()

    @pl.when(c == 0)
    def _():
        pltpu.sync_copy(acc_s.at[pl.ds(s * RPT, RPT)],
                        t0_hbm.at[pl.ds(s * RPT, RPT)])

    @pl.when(c == 1)
    def _():
        pltpu.sync_copy(acc_s.at[pl.ds(s * RPT, RPT)],
                        t1_hbm.at[pl.ds(s * RPT, RPT)])


@jax.jit
def _front_call(xpad, dsta, src3, dst3):
    return pl.kernel(
        _front_body,
        out_type=[jax.ShapeDtypeStruct((NP,), _f32),
                  jax.ShapeDtypeStruct((NP,), _f32),
                  jax.ShapeDtypeStruct((NP,), _f32),
                  jax.ShapeDtypeStruct((NP,), _f32)],
        mesh=_mesh(),
        scratch_types=[
            pltpu.VMEM((DCH, 1, SK), jnp.int32),
            pltpu.VMEM((SCH, 1, SK), jnp.int32),
            pltpu.VMEM((SCH, 1, SK), jnp.int32),
            pltpu.VMEM((SK,), _f32),
            pltpu.VMEM((RPT,), _f32),
            pltpu.VMEM((RPT,), _f32),
            pltpu.VMEM((RPT,), _f32),
            pltpu.VMEM((SK,), _f32),
            pltpu.VMEM_SHARED((NP,), _f32),
            pltpu.VMEM_SHARED((NP,), _f32),
            pltpu.VMEM_SHARED((NP,), _f32),
            pltpu.SemaphoreType.DMA,
        ],
    )(xpad, dsta, src3, dst3)



def _agg2_body(mp_hbm, src_hbm, dst_hbm, a0_hbm, a1_hbm,
               src_v, dst_v, rows_v, zrow_v, acc_s, sem):
    c, s, w = _wid()

    def fz(i, _):
        r = i // 8
        l = (i % 8) * 16
        zrow_v[r, pl.ds(l, 16)] = jnp.zeros((16,), _f32)
        return 0
    lax.fori_loop(0, 64 * 8, fz, 0)

    for jj in range(RPT // 64):
        pltpu.sync_copy(zrow_v, acc_s.at[pl.ds(s * RPT + jj * 64, 64)])
    pltpu.sync_copy(src_hbm.at[w], src_v)
    pltpu.sync_copy(dst_hbm.at[w], dst_v)
    plsc.subcore_barrier()

    for j in range(RCH):
        pltpu.async_copy(mp_hbm.at[src_v.at[j, 0]], rows_v, sem).wait()
        pltpu.sync_copy(rows_v, acc_s.at[dst_v.at[j, 0]], add=True)
    plsc.subcore_barrier()

    @pl.when(c == 0)
    def _():
        for jj in range(RPT // 64):
            pltpu.sync_copy(acc_s.at[pl.ds(s * RPT + jj * 64, 64)],
                            a0_hbm.at[pl.ds(s * RPT + jj * 64, 64)])

    @pl.when(c == 1)
    def _():
        for jj in range(RPT // 64):
            pltpu.sync_copy(acc_s.at[pl.ds(s * RPT + jj * 64, 64)],
                            a1_hbm.at[pl.ds(s * RPT + jj * 64, 64)])


@jax.jit
def _agg2_call(mp, srcr, dstr):
    return pl.kernel(
        _agg2_body,
        out_type=[jax.ShapeDtypeStruct((NP, H), _f32),
                  jax.ShapeDtypeStruct((NP, H), _f32)],
        mesh=_mesh(),
        scratch_types=[
            pltpu.VMEM((RCH, 1, RK), jnp.int32),
            pltpu.VMEM((RCH, 1, RK), jnp.int32),
            pltpu.VMEM((RK, H), _f32),
            pltpu.VMEM((64, H), _f32),
            pltpu.VMEM_SHARED((NP, H), _f32),
            pltpu.SemaphoreType.DMA,
        ],
    )(mp, srcr, dstr)



_TC2B = 512


def _tc2_body(t0, t1, dis, xp, w1, b1, W2, mp_ref):
    sv = dis[...] * (xp[...] + t0[...] + t1[...])
    h1 = jnp.maximum(sv[:, None] * w1[...][None, :] + b1[...][None, :], 0.0)
    m = jnp.dot(h1, W2[...], preferred_element_type=_f32)
    mp_ref[...] = dis[...][:, None] * m


@jax.jit
def _tc2_call(t0, t1, dis, xp, w1, b1, W2):
    vec = pl.BlockSpec((_TC2B,), lambda i: (i,))
    return pl.pallas_call(
        _tc2_body,
        grid=(NP // _TC2B,),
        in_specs=[vec, vec, vec, vec,
                  pl.BlockSpec((H,), lambda i: (0,)),
                  pl.BlockSpec((H,), lambda i: (0,)),
                  pl.BlockSpec((H, H), lambda i: (0, 0))],
        out_specs=pl.BlockSpec((_TC2B, H), lambda i: (i, 0)),
        out_shape=jax.ShapeDtypeStruct((NP, H), _f32),
    )(t0, t1, dis, xp, w1, b1, W2)



_TC3B = 400


def _tc3_body(a0, a1, mp, dis, b2, bidx, wout, bout, out_ref,
              gmax_s, gsum_s, gcnt_s):
    i = pl.program_id(0)

    @pl.when(i == 0)
    def _():
        gmax_s[...] = jnp.full((G, H), -jnp.inf, _f32)
        gsum_s[...] = jnp.zeros((G, H), _f32)
        gcnt_s[...] = jnp.zeros((G, 128), _f32)

    h2 = jnp.maximum(
        dis[...] * (mp[...] + a0[...] + a1[...]) + b2[...][None, :],
        0.0)
    b = bidx[...]
    lo = b[0, 0]
    hi = b[_TC3B - 1, 0]

    def seg(g, _):
        mask = b == g
        msel = jnp.where(mask, h2, -jnp.inf)
        gmax_s[g, :] = jnp.maximum(gmax_s[g, :], jnp.max(msel, axis=0))
        ssel = jnp.where(mask, h2, 0.0)
        gsum_s[g, :] = gsum_s[g, :] + jnp.sum(ssel, axis=0)
        gcnt_s[g, :] = gcnt_s[g, :] + jnp.sum(mask.astype(_f32))
        return 0

    lax.fori_loop(lo, hi + 1, seg, 0)

    @pl.when(i == pl.num_programs(0) - 1)
    def _():
        gmean = gsum_s[...] / jnp.maximum(gcnt_s[...][:, :H], 1.0)
        wo = wout[...]
        logits = (jnp.dot(gmax_s[...], wo[:H, :], preferred_element_type=_f32)
                  + jnp.dot(gmean, wo[H:, :], preferred_element_type=_f32)
                  + bout[...][None, :])
        mx = jnp.max(logits, axis=1, keepdims=True)
        e = jnp.exp(logits - mx)
        out_ref[...] = e / jnp.sum(e, axis=1, keepdims=True)


@jax.jit
def _tc3_call(a0, a1, mp, dis2, b2, bidx2, Wout, bout):
    row = pl.BlockSpec((_TC3B, H), lambda i: (i, 0))
    return pl.pallas_call(
        _tc3_body,
        grid=(N // _TC3B,),
        in_specs=[row, row, row,
                  pl.BlockSpec((_TC3B, 1), lambda i: (i, 0)),
                  pl.BlockSpec((H,), lambda i: (0,)),
                  pl.BlockSpec((_TC3B, 1), lambda i: (i, 0)),
                  pl.BlockSpec((2 * H, 10), lambda i: (0, 0)),
                  pl.BlockSpec((10,), lambda i: (0,))],
        out_specs=pl.BlockSpec((G, 10), lambda i: (0, 0)),
        out_shape=jax.ShapeDtypeStruct((G, 10), _f32),
        scratch_shapes=[pltpu.VMEM((G, H), _f32),
                        pltpu.VMEM((G, H), _f32),
                        pltpu.VMEM((G, 128), _f32)],
    )(a0, a1, mp, dis2, b2, bidx2, Wout, bout)



def kernel(x, edge_index, batch_index, W1, b1, W2, b2, Wout, bout):
    src = edge_index[0]
    dst = edge_index[1]
    src3 = src.reshape(NW, SCH, 1, SK)
    dst3 = dst.reshape(NW, SCH, 1, SK)
    dsta = dst.reshape(NS, DCH, 1, SK)
    srcr = src.reshape(NW, RCH, 1, RK)
    dstr = dst.reshape(NW, RCH, 1, RK)
    xpad = jnp.pad(x[:, 0], (0, NP - N))
    bidx2 = batch_index.reshape(N, 1)

    dis, xp, t0, t1 = _front_call(xpad, dsta, src3, dst3)
    mp = _tc2_call(t0, t1, dis, xp, W1.reshape(H), b1, W2)
    a0, a1 = _agg2_call(mp, srcr, dstr)
    return _tc3_call(a0, a1, mp, dis.reshape(NP, 1), b2, bidx2, Wout, bout)

# --- scband reference (transcript-rebuilt; emitter-appended) ---
"""Pipeline reference for scband-gcn-73443940762210 (READ-ONLY COPY).

The authoritative reference and input builder live on the scoring server;
editing this copy changes nothing except your own understanding.
"""

import jax, jax.numpy as jnp
import numpy as np

N_NODES = 10000
N_EDGES = 320000
HIDDEN = 128
N_GRAPHS = 64
N_CLASSES = 10


def gcn_conv(x, edge_index, W, b):
    n = x.shape[0]
    src = edge_index[0]
    dst = edge_index[1]
    loop = jnp.arange(n, dtype=edge_index.dtype)
    src = jnp.concatenate([src, loop])
    dst = jnp.concatenate([dst, loop])
    # symmetric normalization with self-loops (PyG GCNConv default)
    deg = jnp.zeros((n,), dtype=x.dtype).at[dst].add(1.0)
    deg_inv_sqrt = jnp.where(deg > 0, deg ** -0.5, 0.0)
    norm = deg_inv_sqrt[src] * deg_inv_sqrt[dst]
    h = x @ W
    msg = h[src] * norm[:, None]
    out = jnp.zeros((n, W.shape[1]), dtype=x.dtype).at[dst].add(msg)
    return out + b


def setup_inputs(seed: int = 0) -> dict:
    key = jax.random.key(seed)
    ks = jax.random.split(key, 10)
    x = jax.random.normal(ks[0], (N_NODES, 1), dtype=jnp.float32)
    edge_index = jax.random.randint(ks[1], (2, N_EDGES), 0, N_NODES, dtype=jnp.int64 if jax.config.jax_enable_x64 else jnp.int32).astype(jnp.int32)
    batch_index = jnp.sort(jax.random.randint(ks[2], (N_NODES,), 0, N_GRAPHS).astype(jnp.int32))
    def glorot(k, shape):
        fan_in, fan_out = shape[0], shape[1]
        s = jnp.sqrt(6.0 / (fan_in + fan_out))
        return jax.random.uniform(k, shape, dtype=jnp.float32, minval=-s, maxval=s)
    W1 = glorot(ks[3], (1, HIDDEN))
    b1 = jnp.zeros((HIDDEN,), dtype=jnp.float32)
    W2 = glorot(ks[4], (HIDDEN, HIDDEN))
    b2 = jnp.zeros((HIDDEN,), dtype=jnp.float32)
    Wout = glorot(ks[5], (2 * HIDDEN, N_CLASSES))
    bout = jnp.zeros((N_CLASSES,), dtype=jnp.float32)
    return {"x": x, "edge_index": edge_index, "batch_index": batch_index,
            "W1": W1, "b1": b1, "W2": W2, "b2": b2, "Wout": Wout, "bout": bout}


def reference(x, edge_index, batch_index, W1, b1, W2, b2, Wout, bout):
    h = gcn_conv(x, edge_index, W1, b1)
    h = jax.nn.relu(h)
    # dropout p=0.5 is identity in eval mode (training=False)
    h = gcn_conv(h, edge_index, W2, b2)
    h = jax.nn.relu(h)
    gmax = jax.ops.segment_max(h, batch_index, num_segments=N_GRAPHS)
    gsum = jax.ops.segment_sum(h, batch_index, num_segments=N_GRAPHS)
    cnt = jax.ops.segment_sum(jnp.ones((h.shape[0],), dtype=h.dtype), batch_index, num_segments=N_GRAPHS)
    gmean = gsum / jnp.maximum(cnt, 1.0)[:, None]
    g = jnp.concatenate([gmax, gmean], axis=1)
    logits = g @ Wout + bout
    return jax.nn.softmax(logits, axis=1)

if __name__ == "__main__":
    import jax
    _d = setup_inputs()
    print(jax.jit(kernel)(*tuple(_d.values())))

</pallas_src>

<mosaic_0001>
#map = affine_map<(d0, d1) -> (0)>
#map1 = affine_map<(d0, d1) -> (0, 0, 0, 0)>
module attributes {stable_mosaic.version = 14 : i64} {
  func.func @_front_body(%arg0: i32, %arg1: i32, %arg2: memref<10240xf32, #tpu.memory_space<hbm>>, %arg3: memref<16x10x1x2000xi32, #tpu.memory_space<hbm>>, %arg4: memref<32x5x1x2000xi32, #tpu.memory_space<hbm>>, %arg5: memref<32x5x1x2000xi32, #tpu.memory_space<hbm>>, %arg6: memref<10240xf32, #tpu.memory_space<hbm>>, %arg7: memref<10240xf32, #tpu.memory_space<hbm>>, %arg8: memref<10240xf32, #tpu.memory_space<hbm>>, %arg9: memref<10240xf32, #tpu.memory_space<hbm>>, %arg10: memref<10x1x2000xi32, #tpu.memory_space<vmem>>, %arg11: memref<5x1x2000xi32, #tpu.memory_space<vmem>>, %arg12: memref<5x1x2000xi32, #tpu.memory_space<vmem>>, %arg13: memref<2000xf32, #tpu.memory_space<vmem>>, %arg14: memref<640xf32, #tpu.memory_space<vmem>>, %arg15: memref<640xf32, #tpu.memory_space<vmem>>, %arg16: memref<640xf32, #tpu.memory_space<vmem>>, %arg17: memref<2000xf32, #tpu.memory_space<vmem>>, %arg18: memref<10240xf32, #tpu.memory_space<vmem_shared>>, %arg19: memref<10240xf32, #tpu.memory_space<vmem_shared>>, %arg20: memref<10240xf32, #tpu.memory_space<vmem_shared>>, %arg21: memref<!tpu.dma_semaphore, #tpu.memory_space<semaphore_mem>>) attributes {dimension_semantics = [#tpu.dimension_semantics<core_parallel>, #tpu.dimension_semantics<subcore_parallel>], iteration_bounds = array<i64: 2, 16>, scalar_prefetch = 0 : i64, scratch_operands = 12 : i64, tpu.core_type = #tpu.core_type<sc_vector_subcore>, window_params = [{transform_indices = #map}, {transform_indices = #map1}, {transform_indices = #map1}, {transform_indices = #map1}, {transform_indices = #map}, {transform_indices = #map}, {transform_indices = #map}, {transform_indices = #map}]} {
    %mul3A = arith.constant 2 : i32
    %mul3A_0 = arith.muli %arg1, %mul3A : i32
    %add3A = arith.addi %mul3A_0, %arg0 : i32
    %scan3A = arith.constant 0 : i32
    %scan3A_1 = arith.constant 0 : i32
    %scan3A_2 = arith.constant 125 : i32
    %scan3A_3 = arith.addi %scan3A_1, %scan3A_2 : i32
    %scan3A_4 = arith.constant 1 : i32
    %scan3A_5 = scf.for %scan3A_143 = %scan3A_1 to %scan3A_3 step %scan3A_4 iter_args(%scan3A_144 = %scan3A) -> (i32)  : i32 {
      %broadcast_in_dim3A = arith.constant 1.000000e+00 : f32
      %broadcast_in_dim3A_145 = vector.broadcast %broadcast_in_dim3A : f32 to vector<16xf32>
      %mul3A_146 = arith.constant 16 : i32
      %mul3A_147 = arith.muli %scan3A_143, %mul3A_146 : i32
      %swap3A = arith.index_cast %mul3A_147 : i32 to index
      %swap3A_148 = tpu.vector_load %arg17[%swap3A] {strides = array<i32>} : memref<2000xf32, #tpu.memory_space<vmem>>, vector<16xf32>,
      %swap3A_149 = vector.shape_cast %swap3A_148 : vector<16xf32> to vector<16xf32>
      %swap3A_150 = vector.shape_cast %broadcast_in_dim3A_145 : vector<16xf32> to vector<16xf32>
      tpu.vector_store %arg17[%swap3A], %swap3A_150 {strides = array<i32>} : memref<2000xf32, #tpu.memory_space<vmem>>, vector<16xf32>,
      %scan3A_151 = arith.constant 0 : i32
      scf.yield %scan3A_151 : i32
    }
    %scan3A_6 = arith.constant 125 : i32
    %scan3A_7 = arith.constant 0 : i32
    %scan3A_8 = arith.constant 0 : i32
    %scan3A_9 = arith.constant 40 : i32
    %scan3A_10 = arith.addi %scan3A_8, %scan3A_9 : i32
    %scan3A_11 = arith.constant 1 : i32
    %scan3A_12 = scf.for %scan3A_143 = %scan3A_8 to %scan3A_10 step %scan3A_11 iter_args(%scan3A_144 = %scan3A_7) -> (i32)  : i32 {
      %broadcast_in_dim3A = arith.constant 0.000000e+00 : f32
      %broadcast_in_dim3A_145 = vector.broadcast %broadcast_in_dim3A : f32 to vector<16xf32>
      %mul3A_146 = arith.constant 16 : i32
      %mul3A_147 = arith.muli %scan3A_143, %mul3A_146 : i32
      %swap3A = arith.index_cast %mul3A_147 : i32 to index
      %swap3A_148 = tpu.vector_load %arg14[%swap3A] {strides = array<i32>} : memref<640xf32, #tpu.memory_space<vmem>>, vector<16xf32>,
      %swap3A_149 = vector.shape_cast %swap3A_148 : vector<16xf32> to vector<16xf32>
      %swap3A_150 = vector.shape_cast %broadcast_in_dim3A_145 : vector<16xf32> to vector<16xf32>
      tpu.vector_store %arg14[%swap3A], %swap3A_150 {strides = array<i32>} : memref<640xf32, #tpu.memory_space<vmem>>, vector<16xf32>,
      %scan3A_151 = arith.constant 0 : i32
      scf.yield %scan3A_151 : i32
    }
    %scan3A_13 = arith.constant 40 : i32
    %mul3A_14 = arith.constant 640 : i32
    %mul3A_15 = arith.muli %arg1, %mul3A_14 : i32
    "tpu.region"() ({
      %run_scoped3A_143 = tpu.sem_alloc : memref<!tpu.dma_semaphore, #tpu.memory_space<semaphore_mem>>
      %dma_start3A_144 = tpu.memref_slice %arg18[%mul3A_15] : memref<10240xf32, #tpu.memory_space<vmem_shared>> -> memref<640xf32, #tpu.memory_space<vmem_shared>>
      %dma_start3A_145 = tpu.memref_slice %arg18[%mul3A_15] : memref<10240xf32, #tpu.memory_space<vmem_shared>> -> memref<640xf32, #tpu.memory_space<vmem_shared>>
      tpu.enqueue_dma source(%arg14 : memref<640xf32, #tpu.memory_space<vmem>>) target(%dma_start3A_145 : memref<640xf32, #tpu.memory_space<vmem_shared>>) target_semaphore(%run_scoped3A_143 : memref<!tpu.dma_semaphore, #tpu.memory_space<semaphore_mem>>)
      %dma_wait3A_146 = tpu.memref_slice %arg18[%mul3A_15] : memref<10240xf32, #tpu.memory_space<vmem_shared>> -> memref<640xf32, #tpu.memory_space<vmem_shared>>
      %dma_wait3A_147 = tpu.memref_slice %arg18[%mul3A_15] : memref<10240xf32, #tpu.memory_space<vmem_shared>> -> memref<640xf32, #tpu.memory_space<vmem_shared>>
      tpu.wait_dma2 semaphore(%run_scoped3A_143 : memref<!tpu.dma_semaphore, #tpu.memory_space<semaphore_mem>>) src(%arg14 : memref<640xf32, #tpu.memory_space<vmem>>) dst(%dma_wait3A_147 : memref<640xf32, #tpu.memory_space<vmem_shared>>)
      tpu.yield
    }) : () -> ()
    %mul3A_16 = arith.constant 640 : i32
    %mul3A_17 = arith.muli %arg1, %mul3A_16 : i32
    "tpu.region"() ({
      %run_scoped3A_143 = tpu.sem_alloc : memref<!tpu.dma_semaphore, #tpu.memory_space<semaphore_mem>>
      %dma_start3A_144 = tpu.memref_slice %arg20[%mul3A_17] : memref<10240xf32, #tpu.memory_space<vmem_shared>> -> memref<640xf32, #tpu.memory_space<vmem_shared>>
      %dma_start3A_145 = tpu.memref_slice %arg20[%mul3A_17] : memref<10240xf32, #tpu.memory_space<vmem_shared>> -> memref<640xf32, #tpu.memory_space<vmem_shared>>
      tpu.enqueue_dma source(%arg14 : memref<640xf32, #tpu.memory_space<vmem>>) target(%dma_start3A_145 : memref<640xf32, #tpu.memory_space<vmem_shared>>) target_semaphore(%run_scoped3A_143 : memref<!tpu.dma_semaphore, #tpu.memory_space<semaphore_mem>>)
      %dma_wait3A_146 = tpu.memref_slice %arg20[%mul3A_17] : memref<10240xf32, #tpu.memory_space<vmem_shared>> -> memref<640xf32, #tpu.memory_space<vmem_shared>>
      %dma_wait3A_147 = tpu.memref_slice %arg20[%mul3A_17] : memref<10240xf32, #tpu.memory_space<vmem_shared>> -> memref<640xf32, #tpu.memory_space<vmem_shared>>
      tpu.wait_dma2 semaphore(%run_scoped3A_143 : memref<!tpu.dma_semaphore, #tpu.memory_space<semaphore_mem>>) src(%arg14 : memref<640xf32, #tpu.memory_space<vmem>>) dst(%dma_wait3A_147 : memref<640xf32, #tpu.memory_space<vmem_shared>>)
      tpu.yield
    }) : () -> ()
    "tpu.region"() ({
      %run_scoped3A_143 = tpu.sem_alloc : memref<!tpu.dma_semaphore, #tpu.memory_space<semaphore_mem>>
      %dma_start3A_144 = arith.constant 0 : i32
      %dma_start3A_145 = arith.constant 0 : i32
      %dma_start3A_146 = arith.constant 0 : i32
      %dma_start3A_147 = tpu.memref_slice %arg3[%arg1, %dma_start3A_144, %dma_start3A_145, %dma_start3A_146] : memref<16x10x1x2000xi32, #tpu.memory_space<hbm>> -> memref<1x10x1x2000xi32, #tpu.memory_space<hbm>>
      %dma_start3A_148 = tpu.memref_squeeze %dma_start3A_147 : memref<1x10x1x2000xi32, #tpu.memory_space<hbm>> -> memref<10x1x2000xi32, #tpu.memory_space<hbm>>
      %dma_start3A_149 = arith.constant 0 : i32
      %dma_start3A_150 = arith.constant 0 : i32
      %dma_start3A_151 = arith.constant 0 : i32
      %dma_start3A_152 = tpu.memref_slice %arg3[%arg1, %dma_start3A_149, %dma_start3A_150, %dma_start3A_151] : memref<16x10x1x2000xi32, #tpu.memory_space<hbm>> -> memref<1x10x1x2000xi32, #tpu.memory_space<hbm>>
      %dma_start3A_153 = tpu.memref_squeeze %dma_start3A_152 : memref<1x10x1x2000xi32, #tpu.memory_space<hbm>> -> memref<10x1x2000xi32, #tpu.memory_space<hbm>>
      tpu.enqueue_dma source(%dma_start3A_153 : memref<10x1x2000xi32, #tpu.memory_space<hbm>>) target(%arg10 : memref<10x1x2000xi32, #tpu.memory_space<vmem>>) target_semaphore(%run_scoped3A_143 : memref<!tpu.dma_semaphore, #tpu.memory_space<semaphore_mem>>)
      %dma_wait3A_154 = arith.constant 0 : i32
      %dma_wait3A_155 = arith.constant 0 : i32
      %dma_wait3A_156 = arith.constant 0 : i32
      %dma_wait3A_157 = tpu.memref_slice %arg3[%arg1, %dma_wait3A_154, %dma_wait3A_155, %dma_wait3A_156] : memref<16x10x1x2000xi32, #tpu.memory_space<hbm>> -> memref<1x10x1x2000xi32, #tpu.memory_space<hbm>>
      %dma_wait3A_158 = tpu.memref_squeeze %dma_wait3A_157 : memref<1x10x1x2000xi32, #tpu.memory_space<hbm>> -> memref<10x1x2000xi32, #tpu.memory_space<hbm>>
      %dma_wait3A_159 = arith.constant 0 : i32
      %dma_wait3A_160 = arith.constant 0 : i32
      %dma_wait3A_161 = arith.constant 0 : i32
      %dma_wait3A_162 = tpu.memref_slice %arg3[%arg1, %dma_wait3A_159, %dma_wait3A_160, %dma_wait3A_161] : memref<16x10x1x2000xi32, #tpu.memory_space<hbm>> -> memref<1x10x1x2000xi32, #tpu.memory_space<hbm>>
      %dma_wait3A_163 = tpu.memref_squeeze %dma_wait3A_162 : memref<1x10x1x2000xi32, #tpu.memory_space<hbm>> -> memref<10x1x2000xi32, #tpu.memory_space<hbm>>
      tpu.wait_dma2 semaphore(%run_scoped3A_143 : memref<!tpu.dma_semaphore, #tpu.memory_space<semaphore_mem>>) src(%dma_wait3A_163 : memref<10x1x2000xi32, #tpu.memory_space<hbm>>) dst(%arg10 : memref<10x1x2000xi32, #tpu.memory_space<vmem>>)
      tpu.yield
    }) : () -> ()
    "tpu.region"() ({
      %run_scoped3A_143 = tpu.sem_alloc : memref<!tpu.dma_semaphore, #tpu.memory_space<semaphore_mem>>
      %dma_start3A_144 = arith.constant 0 : i32
      %dma_start3A_145 = arith.constant 0 : i32
      %dma_start3A_146 = arith.constant 0 : i32
      %dma_start3A_147 = tpu.memref_slice %arg4[%add3A, %dma_start3A_144, %dma_start3A_145, %dma_start3A_146] : memref<32x5x1x2000xi32, #tpu.memory_space<hbm>> -> memref<1x5x1x2000xi32, #tpu.memory_space<hbm>>
      %dma_start3A_148 = tpu.memref_squeeze %dma_start3A_147 : memref<1x5x1x2000xi32, #tpu.memory_space<hbm>> -> memref<5x1x2000xi32, #tpu.memory_space<hbm>>
      %dma_start3A_149 = arith.constant 0 : i32
      %dma_start3A_150 = arith.constant 0 : i32
      %dma_start3A_151 = arith.constant 0 : i32
      %dma_start3A_152 = tpu.memref_slice %arg4[%add3A, %dma_start3A_149, %dma_start3A_150, %dma_start3A_151] : memref<32x5x1x2000xi32, #tpu.memory_space<hbm>> -> memref<1x5x1x2000xi32, #tpu.memory_space<hbm>>
      %dma_start3A_153 = tpu.memref_squeeze %dma_start3A_152 : memref<1x5x1x2000xi32, #tpu.memory_space<hbm>> -> memref<5x1x2000xi32, #tpu.memory_space<hbm>>
      tpu.enqueue_dma source(%dma_start3A_153 : memref<5x1x2000xi32, #tpu.memory_space<hbm>>) target(%arg11 : memref<5x1x2000xi32, #tpu.memory_space<vmem>>) target_semaphore(%run_scoped3A_143 : memref<!tpu.dma_semaphore, #tpu.memory_space<semaphore_mem>>)
      %dma_wait3A_154 = arith.constant 0 : i32
      %dma_wait3A_155 = arith.constant 0 : i32
      %dma_wait3A_156 = arith.constant 0 : i32
      %dma_wait3A_157 = tpu.memref_slice %arg4[%add3A, %dma_wait3A_154, %dma_wait3A_155, %dma_wait3A_156] : memref<32x5x1x2000xi32, #tpu.memory_space<hbm>> -> memref<1x5x1x2000xi32, #tpu.memory_space<hbm>>
      %dma_wait3A_158 = tpu.memref_squeeze %dma_wait3A_157 : memref<1x5x1x2000xi32, #tpu.memory_space<hbm>> -> memref<5x1x2000xi32, #tpu.memory_space<hbm>>
      %dma_wait3A_159 = arith.constant 0 : i32
      %dma_wait3A_160 = arith.constant 0 : i32
      %dma_wait3A_161 = arith.constant 0 : i32
      %dma_wait3A_162 = tpu.memref_slice %arg4[%add3A, %dma_wait3A_159, %dma_wait3A_160, %dma_wait3A_161] : memref<32x5x1x2000xi32, #tpu.memory_space<hbm>> -> memref<1x5x1x2000xi32, #tpu.memory_space<hbm>>
      %dma_wait3A_163 = tpu.memref_squeeze %dma_wait3A_162 : memref<1x5x1x2000xi32, #tpu.memory_space<hbm>> -> memref<5x1x2000xi32, #tpu.memory_space<hbm>>
      tpu.wait_dma2 semaphore(%run_scoped3A_143 : memref<!tpu.dma_semaphore, #tpu.memory_space<semaphore_mem>>) src(%dma_wait3A_163 : memref<5x1x2000xi32, #tpu.memory_space<hbm>>) dst(%arg11 : memref<5x1x2000xi32, #tpu.memory_space<vmem>>)
      tpu.yield
    }) : () -> ()
    "tpu.region"() ({
      %run_scoped3A_143 = tpu.sem_alloc : memref<!tpu.dma_semaphore, #tpu.memory_space<semaphore_mem>>
      %dma_start3A_144 = arith.constant 0 : i32
      %dma_start3A_145 = arith.constant 0 : i32
      %dma_start3A_146 = arith.constant 0 : i32
      %dma_start3A_147 = tpu.memref_slice %arg5[%add3A, %dma_start3A_144, %dma_start3A_145, %dma_start3A_146] : memref<32x5x1x2000xi32, #tpu.memory_space<hbm>> -> memref<1x5x1x2000xi32, #tpu.memory_space<hbm>>
      %dma_start3A_148 = tpu.memref_squeeze %dma_start3A_147 : memref<1x5x1x2000xi32, #tpu.memory_space<hbm>> -> memref<5x1x2000xi32, #tpu.memory_space<hbm>>
      %dma_start3A_149 = arith.constant 0 : i32
      %dma_start3A_150 = arith.constant 0 : i32
      %dma_start3A_151 = arith.constant 0 : i32
      %dma_start3A_152 = tpu.memref_slice %arg5[%add3A, %dma_start3A_149, %dma_start3A_150, %dma_start3A_151] : memref<32x5x1x2000xi32, #tpu.memory_space<hbm>> -> memref<1x5x1x2000xi32, #tpu.memory_space<hbm>>
      %dma_start3A_153 = tpu.memref_squeeze %dma_start3A_152 : memref<1x5x1x2000xi32, #tpu.memory_space<hbm>> -> memref<5x1x2000xi32, #tpu.memory_space<hbm>>
      tpu.enqueue_dma source(%dma_start3A_153 : memref<5x1x2000xi32, #tpu.memory_space<hbm>>) target(%arg12 : memref<5x1x2000xi32, #tpu.memory_space<vmem>>) target_semaphore(%run_scoped3A_143 : memref<!tpu.dma_semaphore, #tpu.memory_space<semaphore_mem>>)
      %dma_wait3A_154 = arith.constant 0 : i32
      %dma_wait3A_155 = arith.constant 0 : i32
      %dma_wait3A_156 = arith.constant 0 : i32
      %dma_wait3A_157 = tpu.memref_slice %arg5[%add3A, %dma_wait3A_154, %dma_wait3A_155, %dma_wait3A_156] : memref<32x5x1x2000xi32, #tpu.memory_space<hbm>> -> memref<1x5x1x2000xi32, #tpu.memory_space<hbm>>
      %dma_wait3A_158 = tpu.memref_squeeze %dma_wait3A_157 : memref<1x5x1x2000xi32, #tpu.memory_space<hbm>> -> memref<5x1x2000xi32, #tpu.memory_space<hbm>>
      %dma_wait3A_159 = arith.constant 0 : i32
      %dma_wait3A_160 = arith.constant 0 : i32
      %dma_wait3A_161 = arith.constant 0 : i32
      %dma_wait3A_162 = tpu.memref_slice %arg5[%add3A, %dma_wait3A_159, %dma_wait3A_160, %dma_wait3A_161] : memref<32x5x1x2000xi32, #tpu.memory_space<hbm>> -> memref<1x5x1x2000xi32, #tpu.memory_space<hbm>>
      %dma_wait3A_163 = tpu.memref_squeeze %dma_wait3A_162 : memref<1x5x1x2000xi32, #tpu.memory_space<hbm>> -> memref<5x1x2000xi32, #tpu.memory_space<hbm>>
      tpu.wait_dma2 semaphore(%run_scoped3A_143 : memref<!tpu.dma_semaphore, #tpu.memory_space<semaphore_mem>>) src(%dma_wait3A_163 : memref<5x1x2000xi32, #tpu.memory_space<hbm>>) dst(%arg12 : memref<5x1x2000xi32, #tpu.memory_space<vmem>>)
      tpu.yield
    }) : () -> ()
    %mul3A_18 = arith.constant 640 : i32
    %mul3A_19 = arith.muli %arg1, %mul3A_18 : i32
    "tpu.region"() ({
      %run_scoped3A_143 = tpu.sem_alloc : memref<!tpu.dma_semaphore, #tpu.memory_space<semaphore_mem>>
      %dma_start3A_144 = tpu.memref_slice %arg2[%mul3A_19] : memref<10240xf32, #tpu.memory_space<hbm>> -> memref<640xf32, #tpu.memory_space<hbm>>
      %dma_start3A_145 = tpu.memref_slice %arg2[%mul3A_19] : memref<10240xf32, #tpu.memory_space<hbm>> -> memref<640xf32, #tpu.memory_space<hbm>>
      tpu.enqueue_dma source(%dma_start3A_145 : memref<640xf32, #tpu.memory_space<hbm>>) target(%arg15 : memref<640xf32, #tpu.memory_space<vmem>>) target_semaphore(%run_scoped3A_143 : memref<!tpu.dma_semaphore, #tpu.memory_space<semaphore_mem>>)
      %dma_wait3A_146 = tpu.memref_slice %arg2[%mul3A_19] : memref<10240xf32, #tpu.memory_space<hbm>> -> memref<640xf32, #tpu.memory_space<hbm>>
      %dma_wait3A_147 = tpu.memref_slice %arg2[%mul3A_19] : memref<10240xf32, #tpu.memory_space<hbm>> -> memref<640xf32, #tpu.memory_space<hbm>>
      tpu.wait_dma2 semaphore(%run_scoped3A_143 : memref<!tpu.dma_semaphore, #tpu.memory_space<semaphore_mem>>) src(%dma_wait3A_147 : memref<640xf32, #tpu.memory_space<hbm>>) dst(%arg15 : memref<640xf32, #tpu.memory_space<vmem>>)
      tpu.yield
    }) : () -> ()
    %barrier3A = arith.constant 0 : index
    tpu.barrier barrier_id(%barrier3A)
    %run_scoped3A = arith.constant 0 : i32
    %run_scoped3A_20 = arith.constant 0 : i32
    "tpu.region"() ({
      %run_scoped3A_143 = tpu.sem_alloc : memref<!tpu.dma_semaphore, #tpu.memory_space<semaphore_mem>>
      %dma_start3A_144 = arith.constant 0 : i32
      %dma_start3A_145 = tpu.memref_slice %arg10[%run_scoped3A, %run_scoped3A_20, %dma_start3A_144] : memref<10x1x2000xi32, #tpu.memory_space<vmem>> -> memref<1x1x2000xi32, #tpu.memory_space<vmem>>
      %dma_start3A_146 = tpu.memref_squeeze %dma_start3A_145 : memref<1x1x2000xi32, #tpu.memory_space<vmem>> -> memref<2000xi32, #tpu.memory_space<vmem>>
      %dma_start3A_147 = arith.constant 0 : i32
      %dma_start3A_148 = tpu.memref_slice %arg18[%dma_start3A_147] : memref<10240xf32, #tpu.memory_space<vmem_shared>> -> memref<10240xf32, #tpu.memory_space<vmem_shared>>
      tpu.enqueue_indirect_dma source(%arg17 : memref<2000xf32, #tpu.memory_space<vmem>>) target(%dma_start3A_148 : memref<10240xf32, #tpu.memory_space<vmem_shared>>) offsets(%dma_start3A_146 : memref<2000xi32, #tpu.memory_space<vmem>>) semaphore(%run_scoped3A_143 : memref<!tpu.dma_semaphore, #tpu.memory_space<semaphore_mem>>) {add = true}
      %dma_wait3A_149 = arith.constant 0 : i32
      %dma_wait3A_150 = tpu.memref_slice %arg10[%run_scoped3A, %run_scoped3A_20, %dma_wait3A_149] : memref<10x1x2000xi32, #tpu.memory_space<vmem>> -> memref<1x1x2000xi32, #tpu.memory_space<vmem>>
      %dma_wait3A_151 = tpu.memref_squeeze %dma_wait3A_150 : memref<1x1x2000xi32, #tpu.memory_space<vmem>> -> memref<2000xi32, #tpu.memory_space<vmem>>
      %dma_wait3A_152 = arith.constant 0 : i32
      %dma_wait3A_153 = tpu.memref_slice %arg18[%dma_wait3A_152] : memref<10240xf32, #tpu.memory_space<vmem_shared>> -> memref<10240xf32, #tpu.memory_space<vmem_shared>>
      tpu.wait_indirect_dma semaphore(%run_scoped3A_143 : memref<!tpu.dma_semaphore, #tpu.memory_space<semaphore_mem>>) src(%arg17 : memref<2000xf32, #tpu.memory_space<vmem>>) dst(%dma_wait3A_153 : memref<10240xf32, #tpu.memory_space<vmem_shared>>)
      tpu.yield
    }) : () -> ()
    %run_scoped3A_21 = arith.constant 1 : i32
    %run_scoped3A_22 = arith.constant 0 : i32
    "tpu.region"() ({
      %run_scoped3A_143 = tpu.sem_alloc : memref<!tpu.dma_semaphore, #tpu.memory_space<semaphore_mem>>
      %dma_start3A_144 = arith.constant 0 : i32
      %dma_start3A_145 = tpu.memref_slice %arg10[%run_scoped3A_21, %run_scoped3A_22, %dma_start3A_144] : memref<10x1x2000xi32, #tpu.memory_space<vmem>> -> memref<1x1x2000xi32, #tpu.memory_space<vmem>>
      %dma_start3A_146 = tpu.memref_squeeze %dma_start3A_145 : memref<1x1x2000xi32, #tpu.memory_space<vmem>> -> memref<2000xi32, #tpu.memory_space<vmem>>
      %dma_start3A_147 = arith.constant 0 : i32
      %dma_start3A_148 = tpu.memref_slice %arg18[%dma_start3A_147] : memref<10240xf32, #tpu.memory_space<vmem_shared>> -> memref<10240xf32, #tpu.memory_space<vmem_shared>>
      tpu.enqueue_indirect_dma source(%arg17 : memref<2000xf32, #tpu.memory_space<vmem>>) target(%dma_start3A_148 : memref<10240xf32, #tpu.memory_space<vmem_shared>>) offsets(%dma_start3A_146 : memref<2000xi32, #tpu.memory_space<vmem>>) semaphore(%run_scoped3A_143 : memref<!tpu.dma_semaphore, #tpu.memory_space<semaphore_mem>>) {add = true}
      %dma_wait3A_149 = arith.constant 0 : i32
      %dma_wait3A_150 = tpu.memref_slice %arg10[%run_scoped3A_21, %run_scoped3A_22, %dma_wait3A_149] : memref<10x1x2000xi32, #tpu.memory_space<vmem>> -> memref<1x1x2000xi32, #tpu.memory_space<vmem>>
      %dma_wait3A_151 = tpu.memref_squeeze %dma_wait3A_150 : memref<1x1x2000xi32, #tpu.memory_space<vmem>> -> memref<2000xi32, #tpu.memory_space<vmem>>
      %dma_wait3A_152 = arith.constant 0 : i32
      %dma_wait3A_153 = tpu.memref_slice %arg18[%dma_wait3A_152] : memref<10240xf32, #tpu.memory_space<vmem_shared>> -> memref<10240xf32, #tpu.memory_space<vmem_shared>>
      tpu.wait_indirect_dma semaphore(%run_scoped3A_143 : memref<!tpu.dma_semaphore, #tpu.memory_space<semaphore_mem>>) src(%arg17 : memref<2000xf32, #tpu.memory_space<vmem>>) dst(%dma_wait3A_153 : memref<10240xf32, #tpu.memory_space<vmem_shared>>)
      tpu.yield
    }) : () -> ()
    %run_scoped3A_23 = arith.constant 2 : i32
    %run_scoped3A_24 = arith.constant 0 : i32
    "tpu.region"() ({
      %run_scoped3A_143 = tpu.sem_alloc : memref<!tpu.dma_semaphore, #tpu.memory_space<semaphore_mem>>
      %dma_start3A_144 = arith.constant 0 : i32
      %dma_start3A_145 = tpu.memref_slice %arg10[%run_scoped3A_23, %run_scoped3A_24, %dma_start3A_144] : memref<10x1x2000xi32, #tpu.memory_space<vmem>> -> memref<1x1x2000xi32, #tpu.memory_space<vmem>>
      %dma_start3A_146 = tpu.memref_squeeze %dma_start3A_145 : memref<1x1x2000xi32, #tpu.memory_space<vmem>> -> memref<2000xi32, #tpu.memory_space<vmem>>
      %dma_start3A_147 = arith.constant 0 : i32
      %dma_start3A_148 = tpu.memref_slice %arg18[%dma_start3A_147] : memref<10240xf32, #tpu.memory_space<vmem_shared>> -> memref<10240xf32, #tpu.memory_space<vmem_shared>>
      tpu.enqueue_indirect_dma source(%arg17 : memref<2000xf32, #tpu.memory_space<vmem>>) target(%dma_start3A_148 : memref<10240xf32, #tpu.memory_space<vmem_shared>>) offsets(%dma_start3A_146 : memref<2000xi32, #tpu.memory_space<vmem>>) semaphore(%run_scoped3A_143 : memref<!tpu.dma_semaphore, #tpu.memory_space<semaphore_mem>>) {add = true}
      %dma_wait3A_149 = arith.constant 0 : i32
      %dma_wait3A_150 = tpu.memref_slice %arg10[%run_scoped3A_23, %run_scoped3A_24, %dma_wait3A_149] : memref<10x1x2000xi32, #tpu.memory_space<vmem>> -> memref<1x1x2000xi32, #tpu.memory_space<vmem>>
      %dma_wait3A_151 = tpu.memref_squeeze %dma_wait3A_150 : memref<1x1x2000xi32, #tpu.memory_space<vmem>> -> memref<2000xi32, #tpu.memory_space<vmem>>
      %dma_wait3A_152 = arith.constant 0 : i32
      %dma_wait3A_153 = tpu.memref_slice %arg18[%dma_wait3A_152] : memref<10240xf32, #tpu.memory_space<vmem_shared>> -> memref<10240xf32, #tpu.memory_space<vmem_shared>>
      tpu.wait_indirect_dma semaphore(%run_scoped3A_143 : memref<!tpu.dma_semaphore, #tpu.memory_space<semaphore_mem>>) src(%arg17 : memref<2000xf32, #tpu.memory_space<vmem>>) dst(%dma_wait3A_153 : memref<10240xf32, #tpu.memory_space<vmem_shared>>)
      tpu.yield
    }) : () -> ()
    %run_scoped3A_25 = arith.constant 3 : i32
    %run_scoped3A_26 = arith.constant 0 : i32
    "tpu.region"() ({
      %run_scoped3A_143 = tpu.sem_alloc : memref<!tpu.dma_semaphore, #tpu.memory_space<semaphore_mem>>
      %dma_start3A_144 = arith.constant 0 : i32
      %dma_start3A_145 = tpu.memref_slice %arg10[%run_scoped3A_25, %run_scoped3A_26, %dma_start3A_144] : memref<10x1x2000xi32, #tpu.memory_space<vmem>> -> memref<1x1x2000xi32, #tpu.memory_space<vmem>>
      %dma_start3A_146 = tpu.memref_squeeze %dma_start3A_145 : memref<1x1x2000xi32, #tpu.memory_space<vmem>> -> memref<2000xi32, #tpu.memory_space<vmem>>
      %dma_start3A_147 = arith.constant 0 : i32
      %dma_start3A_148 = tpu.memref_slice %arg18[%dma_start3A_147] : memref<10240xf32, #tpu.memory_space<vmem_shared>> -> memref<10240xf32, #tpu.memory_space<vmem_shared>>
      tpu.enqueue_indirect_dma source(%arg17 : memref<2000xf32, #tpu.memory_space<vmem>>) target(%dma_start3A_148 : memref<10240xf32, #tpu.memory_space<vmem_shared>>) offsets(%dma_start3A_146 : memref<2000xi32, #tpu.memory_space<vmem>>) semaphore(%run_scoped3A_143 : memref<!tpu.dma_semaphore, #tpu.memory_space<semaphore_mem>>) {add = true}
      %dma_wait3A_149 = arith.constant 0 : i32
      %dma_wait3A_150 = tpu.memref_slice %arg10[%run_scoped3A_25, %run_scoped3A_26, %dma_wait3A_149] : memref<10x1x2000xi32, #tpu.memory_space<vmem>> -> memref<1x1x2000xi32, #tpu.memory_space<vmem>>
      %dma_wait3A_151 = tpu.memref_squeeze %dma_wait3A_150 : memref<1x1x2000xi32, #tpu.memory_space<vmem>> -> memref<2000xi32, #tpu.memory_space<vmem>>
      %dma_wait3A_152 = arith.constant 0 : i32
      %dma_wait3A_153 = tpu.memref_slice %arg18[%dma_wait3A_152] : memref<10240xf32, #tpu.memory_space<vmem_shared>> -> memref<10240xf32, #tpu.memory_space<vmem_shared>>
      tpu.wait_indirect_dma semaphore(%run_scoped3A_143 : memref<!tpu.dma_semaphore, #tpu.memory_space<semaphore_mem>>) src(%arg17 : memref<2000xf32, #tpu.memory_space<vmem>>) dst(%dma_wait3A_153 : memref<10240xf32, #tpu.memory_space<vmem_shared>>)
      tpu.yield
    }) : () -> ()
    %run_scoped3A_27 = arith.constant 4 : i32
    %run_scoped3A_28 = arith.constant 0 : i32
    "tpu.region"() ({
      %run_scoped3A_143 = tpu.sem_alloc : memref<!tpu.dma_semaphore, #tpu.memory_space<semaphore_mem>>
      %dma_start3A_144 = arith.constant 0 : i32
      %dma_start3A_145 = tpu.memref_slice %arg10[%run_scoped3A_27, %run_scoped3A_28, %dma_start3A_144] : memref<10x1x2000xi32, #tpu.memory_space<vmem>> -> memref<1x1x2000xi32, #tpu.memory_space<vmem>>
      %dma_start3A_146 = tpu.memref_squeeze %dma_start3A_145 : memref<1x1x2000xi32, #tpu.memory_space<vmem>> -> memref<2000xi32, #tpu.memory_space<vmem>>
      %dma_start3A_147 = arith.constant 0 : i32
      %dma_start3A_148 = tpu.memref_slice %arg18[%dma_start3A_147] : memref<10240xf32, #tpu.memory_space<vmem_shared>> -> memref<10240xf32, #tpu.memory_space<vmem_shared>>
      tpu.enqueue_indirect_dma source(%arg17 : memref<2000xf32, #tpu.memory_space<vmem>>) target(%dma_start3A_148 : memref<10240xf32, #tpu.memory_space<vmem_shared>>) offsets(%dma_start3A_146 : memref<2000xi32, #tpu.memory_space<vmem>>) semaphore(%run_scoped3A_143 : memref<!tpu.dma_semaphore, #tpu.memory_space<semaphore_mem>>) {add = true}
      %dma_wait3A_149 = arith.constant 0 : i32
      %dma_wait3A_150 = tpu.memref_slice %arg10[%run_scoped3A_27, %run_scoped3A_28, %dma_wait3A_149] : memref<10x1x2000xi32, #tpu.memory_space<vmem>> -> memref<1x1x2000xi32, #tpu.memory_space<vmem>>
      %dma_wait3A_151 = tpu.memref_squeeze %dma_wait3A_150 : memref<1x1x2000xi32, #tpu.memory_space<vmem>> -> memref<2000xi32, #tpu.memory_space<vmem>>
      %dma_wait3A_152 = arith.constant 0 : i32
      %dma_wait3A_153 = tpu.memref_slice %arg18[%dma_wait3A_152] : memref<10240xf32, #tpu.memory_space<vmem_shared>> -> memref<10240xf32, #tpu.memory_space<vmem_shared>>
      tpu.wait_indirect_dma semaphore(%run_scoped3A_143 : memref<!tpu.dma_semaphore, #tpu.memory_space<semaphore_mem>>) src(%arg17 : memref<2000xf32, #tpu.memory_space<vmem>>) dst(%dma_wait3A_153 : memref<10240xf32, #tpu.memory_space<vmem_shared>>)
      tpu.yield
    }) : () -> ()
    %run_scoped3A_29 = arith.constant 5 : i32
    %run_scoped3A_30 = arith.constant 0 : i32
    "tpu.region"() ({
      %run_scoped3A_143 = tpu.sem_alloc : memref<!tpu.dma_semaphore, #tpu.memory_space<semaphore_mem>>
      %dma_start3A_144 = arith.constant 0 : i32
      %dma_start3A_145 = tpu.memref_slice %arg10[%run_scoped3A_29, %run_scoped3A_30, %dma_start3A_144] : memref<10x1x2000xi32, #tpu.memory_space<vmem>> -> memref<1x1x2000xi32, #tpu.memory_space<vmem>>
      %dma_start3A_146 = tpu.memref_squeeze %dma_start3A_145 : memref<1x1x2000xi32, #tpu.memory_space<vmem>> -> memref<2000xi32, #tpu.memory_space<vmem>>
      %dma_start3A_147 = arith.constant 0 : i32
      %dma_start3A_148 = tpu.memref_slice %arg18[%dma_start3A_147] : memref<10240xf32, #tpu.memory_space<vmem_shared>> -> memref<10240xf32, #tpu.memory_space<vmem_shared>>
      tpu.enqueue_indirect_dma source(%arg17 : memref<2000xf32, #tpu.memory_space<vmem>>) target(%dma_start3A_148 : memref<10240xf32, #tpu.memory_space<vmem_shared>>) offsets(%dma_start3A_146 : memref<2000xi32, #tpu.memory_space<vmem>>) semaphore(%run_scoped3A_143 : memref<!tpu.dma_semaphore, #tpu.memory_space<semaphore_mem>>) {add = true}
      %dma_wait3A_149 = arith.constant 0 : i32
      %dma_wait3A_150 = tpu.memref_slice %arg10[%run_scoped3A_29, %run_scoped3A_30, %dma_wait3A_149] : memref<10x1x2000xi32, #tpu.memory_space<vmem>> -> memref<1x1x2000xi32, #tpu.memory_space<vmem>>
      %dma_wait3A_151 = tpu.memref_squeeze %dma_wait3A_150 : memref<1x1x2000xi32, #tpu.memory_space<vmem>> -> memref<2000xi32, #tpu.memory_space<vmem>>
      %dma_wait3A_152 = arith.constant 0 : i32
      %dma_wait3A_153 = tpu.memref_slice %arg18[%dma_wait3A_152] : memref<10240xf32, #tpu.memory_space<vmem_shared>> -> memref<10240xf32, #tpu.memory_space<vmem_shared>>
      tpu.wait_indirect_dma semaphore(%run_scoped3A_143 : memref<!tpu.dma_semaphore, #tpu.memory_space<semaphore_mem>>) src(%arg17 : memref<2000xf32, #tpu.memory_space<vmem>>) dst(%dma_wait3A_153 : memref<10240xf32, #tpu.memory_space<vmem_shared>>)
      tpu.yield
    }) : () -> ()
    %run_scoped3A_31 = arith.constant 6 : i32
    %run_scoped3A_32 = arith.constant 0 : i32
    "tpu.region"() ({
      %run_scoped3A_143 = tpu.sem_alloc : memref<!tpu.dma_semaphore, #tpu.memory_space<semaphore_mem>>
      %dma_start3A_144 = arith.constant 0 : i32
      %dma_start3A_145 = tpu.memref_slice %arg10[%run_scoped3A_31, %run_scoped3A_32, %dma_start3A_144] : memref<10x1x2000xi32, #tpu.memory_space<vmem>> -> memref<1x1x2000xi32, #tpu.memory_space<vmem>>
      %dma_start3A_146 = tpu.memref_squeeze %dma_start3A_145 : memref<1x1x2000xi32, #tpu.memory_space<vmem>> -> memref<2000xi32, #tpu.memory_space<vmem>>
      %dma_start3A_147 = arith.constant 0 : i32
      %dma_start3A_148 = tpu.memref_slice %arg18[%dma_start3A_147] : memref<10240xf32, #tpu.memory_space<vmem_shared>> -> memref<10240xf32, #tpu.memory_space<vmem_shared>>
      tpu.enqueue_indirect_dma source(%arg17 : memref<2000xf32, #tpu.memory_space<vmem>>) target(%dma_start3A_148 : memref<10240xf32, #tpu.memory_space<vmem_shared>>) offsets(%dma_start3A_146 : memref<2000xi32, #tpu.memory_space<vmem>>) semaphore(%run_scoped3A_143 : memref<!tpu.dma_semaphore, #tpu.memory_space<semaphore_mem>>) {add = true}
      %dma_wait3A_149 = arith.constant 0 : i32
      %dma_wait3A_150 = tpu.memref_slice %arg10[%run_scoped3A_31, %run_scoped3A_32, %dma_wait3A_149] : memref<10x1x2000xi32, #tpu.memory_space<vmem>> -> memref<1x1x2000xi32, #tpu.memory_space<vmem>>
      %dma_wait3A_151 = tpu.memref_squeeze %dma_wait3A_150 : memref<1x1x2000xi32, #tpu.memory_space<vmem>> -> memref<2000xi32, #tpu.memory_space<vmem>>
      %dma_wait3A_152 = arith.constant 0 : i32
      %dma_wait3A_153 = tpu.memref_slice %arg18[%dma_wait3A_152] : memref<10240xf32, #tpu.memory_space<vmem_shared>> -> memref<10240xf32, #tpu.memory_space<vmem_shared>>
      tpu.wait_indirect_dma semaphore(%run_scoped3A_143 : memref<!tpu.dma_semaphore, #tpu.memory_space<semaphore_mem>>) src(%arg17 : memref<2000xf32, #tpu.memory_space<vmem>>) dst(%dma_wait3A_153 : memref<10240xf32, #tpu.memory_space<vmem_shared>>)
      tpu.yield
    }) : () -> ()
    %run_scoped3A_33 = arith.constant 7 : i32
    %run_scoped3A_34 = arith.constant 0 : i32
    "tpu.region"() ({
      %run_scoped3A_143 = tpu.sem_alloc : memref<!tpu.dma_semaphore, #tpu.memory_space<semaphore_mem>>
      %dma_start3A_144 = arith.constant 0 : i32
      %dma_start3A_145 = tpu.memref_slice %arg10[%run_scoped3A_33, %run_scoped3A_34, %dma_start3A_144] : memref<10x1x2000xi32, #tpu.memory_space<vmem>> -> memref<1x1x2000xi32, #tpu.memory_space<vmem>>
      %dma_start3A_146 = tpu.memref_squeeze %dma_start3A_145 : memref<1x1x2000xi32, #tpu.memory_space<vmem>> -> memref<2000xi32, #tpu.memory_space<vmem>>
      %dma_start3A_147 = arith.constant 0 : i32
      %dma_start3A_148 = tpu.memref_slice %arg18[%dma_start3A_147] : memref<10240xf32, #tpu.memory_space<vmem_shared>> -> memref<10240xf32, #tpu.memory_space<vmem_shared>>
      tpu.enqueue_indirect_dma source(%arg17 : memref<2000xf32, #tpu.memory_space<vmem>>) target(%dma_start3A_148 : memref<10240xf32, #tpu.memory_space<vmem_shared>>) offsets(%dma_start3A_146 : memref<2000xi32, #tpu.memory_space<vmem>>) semaphore(%run_scoped3A_143 : memref<!tpu.dma_semaphore, #tpu.memory_space<semaphore_mem>>) {add = true}
      %dma_wait3A_149 = arith.constant 0 : i32
      %dma_wait3A_150 = tpu.memref_slice %arg10[%run_scoped3A_33, %run_scoped3A_34, %dma_wait3A_149] : memref<10x1x2000xi32, #tpu.memory_space<vmem>> -> memref<1x1x2000xi32, #tpu.memory_space<vmem>>
      %dma_wait3A_151 = tpu.memref_squeeze %dma_wait3A_150 : memref<1x1x2000xi32, #tpu.memory_space<vmem>> -> memref<2000xi32, #tpu.memory_space<vmem>>
      %dma_wait3A_152 = arith.constant 0 : i32
      %dma_wait3A_153 = tpu.memref_slice %arg18[%dma_wait3A_152] : memref<10240xf32, #tpu.memory_space<vmem_shared>> -> memref<10240xf32, #tpu.memory_space<vmem_shared>>
      tpu.wait_indirect_dma semaphore(%run_scoped3A_143 : memref<!tpu.dma_semaphore, #tpu.memory_space<semaphore_mem>>) src(%arg17 : memref<2000xf32, #tpu.memory_space<vmem>>) dst(%dma_wait3A_153 : memref<10240xf32, #tpu.memory_space<vmem_shared>>)
      tpu.yield
    }) : () -> ()
    %run_scoped3A_35 = arith.constant 8 : i32
    %run_scoped3A_36 = arith.constant 0 : i32
    "tpu.region"() ({
      %run_scoped3A_143 = tpu.sem_alloc : memref<!tpu.dma_semaphore, #tpu.memory_space<semaphore_mem>>
      %dma_start3A_144 = arith.constant 0 : i32
      %dma_start3A_145 = tpu.memref_slice %arg10[%run_scoped3A_35, %run_scoped3A_36, %dma_start3A_144] : memref<10x1x2000xi32, #tpu.memory_space<vmem>> -> memref<1x1x2000xi32, #tpu.memory_space<vmem>>
      %dma_start3A_146 = tpu.memref_squeeze %dma_start3A_145 : memref<1x1x2000xi32, #tpu.memory_space<vmem>> -> memref<2000xi32, #tpu.memory_space<vmem>>
      %dma_start3A_147 = arith.constant 0 : i32
      %dma_start3A_148 = tpu.memref_slice %arg18[%dma_start3A_147] : memref<10240xf32, #tpu.memory_space<vmem_shared>> -> memref<10240xf32, #tpu.memory_space<vmem_shared>>
      tpu.enqueue_indirect_dma source(%arg17 : memref<2000xf32, #tpu.memory_space<vmem>>) target(%dma_start3A_148 : memref<10240xf32, #tpu.memory_space<vmem_shared>>) offsets(%dma_start3A_146 : memref<2000xi32, #tpu.memory_space<vmem>>) semaphore(%run_scoped3A_143 : memref<!tpu.dma_semaphore, #tpu.memory_space<semaphore_mem>>) {add = true}
      %dma_wait3A_149 = arith.constant 0 : i32
      %dma_wait3A_150 = tpu.memref_slice %arg10[%run_scoped3A_35, %run_scoped3A_36, %dma_wait3A_149] : memref<10x1x2000xi32, #tpu.memory_space<vmem>> -> memref<1x1x2000xi32, #tpu.memory_space<vmem>>
      %dma_wait3A_151 = tpu.memref_squeeze %dma_wait3A_150 : memref<1x1x2000xi32, #tpu.memory_space<vmem>> -> memref<2000xi32, #tpu.memory_space<vmem>>
      %dma_wait3A_152 = arith.constant 0 : i32
      %dma_wait3A_153 = tpu.memref_slice %arg18[%dma_wait3A_152] : memref<10240xf32, #tpu.memory_space<vmem_shared>> -> memref<10240xf32, #tpu.memory_space<vmem_shared>>
      tpu.wait_indirect_dma semaphore(%run_scoped3A_143 : memref<!tpu.dma_semaphore, #tpu.memory_space<semaphore_mem>>) src(%arg17 : memref<2000xf32, #tpu.memory_space<vmem>>) dst(%dma_wait3A_153 : memref<10240xf32, #tpu.memory_space<vmem_shared>>)
      tpu.yield
    }) : () -> ()
    %run_scoped3A_37 = arith.constant 9 : i32
    %run_scoped3A_38 = arith.constant 0 : i32
    "tpu.region"() ({
      %run_scoped3A_143 = tpu.sem_alloc : memref<!tpu.dma_semaphore, #tpu.memory_space<semaphore_mem>>
      %dma_start3A_144 = arith.constant 0 : i32
      %dma_start3A_145 = tpu.memref_slice %arg10[%run_scoped3A_37, %run_scoped3A_38, %dma_start3A_144] : memref<10x1x2000xi32, #tpu.memory_space<vmem>> -> memref<1x1x2000xi32, #tpu.memory_space<vmem>>
      %dma_start3A_146 = tpu.memref_squeeze %dma_start3A_145 : memref<1x1x2000xi32, #tpu.memory_space<vmem>> -> memref<2000xi32, #tpu.memory_space<vmem>>
      %dma_start3A_147 = arith.constant 0 : i32
      %dma_start3A_148 = tpu.memref_slice %arg18[%dma_start3A_147] : memref<10240xf32, #tpu.memory_space<vmem_shared>> -> memref<10240xf32, #tpu.memory_space<vmem_shared>>
      tpu.enqueue_indirect_dma source(%arg17 : memref<2000xf32, #tpu.memory_space<vmem>>) target(%dma_start3A_148 : memref<10240xf32, #tpu.memory_space<vmem_shared>>) offsets(%dma_start3A_146 : memref<2000xi32, #tpu.memory_space<vmem>>) semaphore(%run_scoped3A_143 : memref<!tpu.dma_semaphore, #tpu.memory_space<semaphore_mem>>) {add = true}
      %dma_wait3A_149 = arith.constant 0 : i32
      %dma_wait3A_150 = tpu.memref_slice %arg10[%run_scoped3A_37, %run_scoped3A_38, %dma_wait3A_149] : memref<10x1x2000xi32, #tpu.memory_space<vmem>> -> memref<1x1x2000xi32, #tpu.memory_space<vmem>>
      %dma_wait3A_151 = tpu.memref_squeeze %dma_wait3A_150 : memref<1x1x2000xi32, #tpu.memory_space<vmem>> -> memref<2000xi32, #tpu.memory_space<vmem>>
      %dma_wait3A_152 = arith.constant 0 : i32
      %dma_wait3A_153 = tpu.memref_slice %arg18[%dma_wait3A_152] : memref<10240xf32, #tpu.memory_space<vmem_shared>> -> memref<10240xf32, #tpu.memory_space<vmem_shared>>
      tpu.wait_indirect_dma semaphore(%run_scoped3A_143 : memref<!tpu.dma_semaphore, #tpu.memory_space<semaphore_mem>>) src(%arg17 : memref<2000xf32, #tpu.memory_space<vmem>>) dst(%dma_wait3A_153 : memref<10240xf32, #tpu.memory_space<vmem_shared>>)
      tpu.yield
    }) : () -> ()
    %barrier3A_39 = arith.constant 0 : index
    tpu.barrier barrier_id(%barrier3A_39)
    %mul3A_40 = arith.constant 640 : i32
    %mul3A_41 = arith.muli %arg1, %mul3A_40 : i32
    "tpu.region"() ({
      %run_scoped3A_143 = tpu.sem_alloc : memref<!tpu.dma_semaphore, #tpu.memory_space<semaphore_mem>>
      %dma_start3A_144 = tpu.memref_slice %arg18[%mul3A_41] : memref<10240xf32, #tpu.memory_space<vmem_shared>> -> memref<640xf32, #tpu.memory_space<vmem_shared>>
      %dma_start3A_145 = tpu.memref_slice %arg18[%mul3A_41] : memref<10240xf32, #tpu.memory_space<vmem_shared>> -> memref<640xf32, #tpu.memory_space<vmem_shared>>
      tpu.enqueue_dma source(%dma_start3A_145 : memref<640xf32, #tpu.memory_space<vmem_shared>>) target(%arg16 : memref<640xf32, #tpu.memory_space<vmem>>) target_semaphore(%run_scoped3A_143 : memref<!tpu.dma_semaphore, #tpu.memory_space<semaphore_mem>>)
      %dma_wait3A_146 = tpu.memref_slice %arg18[%mul3A_41] : memref<10240xf32, #tpu.memory_space<vmem_shared>> -> memref<640xf32, #tpu.memory_space<vmem_shared>>
      %dma_wait3A_147 = tpu.memref_slice %arg18[%mul3A_41] : memref<10240xf32, #tpu.memory_space<vmem_shared>> -> memref<640xf32, #tpu.memory_space<vmem_shared>>
      tpu.wait_dma2 semaphore(%run_scoped3A_143 : memref<!tpu.dma_semaphore, #tpu.memory_space<semaphore_mem>>) src(%dma_wait3A_147 : memref<640xf32, #tpu.memory_space<vmem_shared>>) dst(%arg16 : memref<640xf32, #tpu.memory_space<vmem>>)
      tpu.yield
    }) : () -> ()
    %scan3A_42 = arith.constant 0 : i32
    %scan3A_43 = arith.constant 0 : i32
    %scan3A_44 = arith.constant 40 : i32
    %scan3A_45 = arith.addi %scan3A_43, %scan3A_44 : i32
    %scan3A_46 = arith.constant 1 : i32
    %scan3A_47 = scf.for %scan3A_143 = %scan3A_43 to %scan3A_45 step %scan3A_46 iter_args(%scan3A_144 = %scan3A_42) -> (i32)  : i32 {
      %mul3A_145 = arith.constant 16 : i32
      %mul3A_146 = arith.muli %scan3A_143, %mul3A_145 : i32
      %get3A = arith.index_cast %mul3A_146 : i32 to index
      %get3A_147 = tpu.vector_load %arg16[%get3A] {strides = array<i32>} : memref<640xf32, #tpu.memory_space<vmem>>, vector<16xf32>,
      %get3A_148 = vector.shape_cast %get3A_147 : vector<16xf32> to vector<16xf32>
      %add3A_149 = arith.constant 1.000000e+00 : f32
      %add3A_150 = vector.broadcast %add3A_149 : f32 to vector<16xf32>
      %add3A_151 = arith.addf %get3A_148, %add3A_150 : vector<16xf32>
      %bitcast_convert_type3A = tpu.bitcast %add3A_151 : vector<16xf32> -> vector<16xi32>
      %shift_right_logical3A = arith.constant 1 : i32
      %shift_right_logical3A_152 = vector.broadcast %shift_right_logical3A : i32 to vector<16xi32>
      %shift_right_logical3A_153 = arith.shrui %bitcast_convert_type3A, %shift_right_logical3A_152 : vector<16xi32>
      %sub3A = arith.constant 1597463007 : i32
      %sub3A_154 = vector.broadcast %sub3A : i32 to vector<16xi32>
      %sub3A_155 = arith.subi %sub3A_154, %shift_right_logical3A_153 : vector<16xi32>
      %bitcast_convert_type3A_156 = tpu.bitcast %sub3A_155 : vector<16xi32> -> vector<16xf32>
      %mul3A_157 = arith.constant 5.000000e-01 : f32
      %mul3A_158 = vector.broadcast %mul3A_157 : f32 to vector<16xf32>
      %mul3A_159 = arith.mulf %mul3A_158, %add3A_151 : vector<16xf32>
      %mul3A_160 = arith.mulf %mul3A_159, %bitcast_convert_type3A_156 : vector<16xf32>
      %mul3A_161 = arith.mulf %mul3A_160, %bitcast_convert_type3A_156 : vector<16xf32>
      %sub3A_162 = arith.constant 1.500000e+00 : f32
      %sub3A_163 = vector.broadcast %sub3A_162 : f32 to vector<16xf32>
      %sub3A_164 = arith.subf %sub3A_163, %mul3A_161 : vector<16xf32>
      %mul3A_165 = arith.mulf %bitcast_convert_type3A_156, %sub3A_164 : vector<16xf32>
      %mul3A_166 = arith.constant 5.000000e-01 : f32
      %mul3A_167 = vector.broadcast %mul3A_166 : f32 to vector<16xf32>
      %mul3A_168 = arith.mulf %mul3A_167, %add3A_151 : vector<16xf32>
      %mul3A_169 = arith.mulf %mul3A_168, %mul3A_165 : vector<16xf32>
      %mul3A_170 = arith.mulf %mul3A_169, %mul3A_165 : vector<16xf32>
      %sub3A_171 = arith.constant 1.500000e+00 : f32
      %sub3A_172 = vector.broadcast %sub3A_171 : f32 to vector<16xf32>
      %sub3A_173 = arith.subf %sub3A_172, %mul3A_170 : vector<16xf32>
      %mul3A_174 = arith.mulf %mul3A_165, %sub3A_173 : vector<16xf32>
      %mul3A_175 = arith.constant 5.000000e-01 : f32
      %mul3A_176 = vector.broadcast %mul3A_175 : f32 to vector<16xf32>
      %mul3A_177 = arith.mulf %mul3A_176, %add3A_151 : vector<16xf32>
      %mul3A_178 = arith.mulf %mul3A_177, %mul3A_174 : vector<16xf32>
      %mul3A_179 = arith.mulf %mul3A_178, %mul3A_174 : vector<16xf32>
      %sub3A_180 = arith.constant 1.500000e+00 : f32
      %sub3A_181 = vector.broadcast %sub3A_180 : f32 to vector<16xf32>
      %sub3A_182 = arith.subf %sub3A_181, %mul3A_179 : vector<16xf32>
      %mul3A_183 = arith.mulf %mul3A_174, %sub3A_182 : vector<16xf32>
      %mul3A_184 = arith.constant 16 : i32
      %mul3A_185 = arith.muli %scan3A_143, %mul3A_184 : i32
      %swap3A = arith.index_cast %mul3A_185 : i32 to index
      %swap3A_186 = tpu.vector_load %arg16[%swap3A] {strides = array<i32>} : memref<640xf32, #tpu.memory_space<vmem>>, vector<16xf32>,
      %swap3A_187 = vector.shape_cast %swap3A_186 : vector<16xf32> to vector<16xf32>
      %swap3A_188 = vector.shape_cast %mul3A_183 : vector<16xf32> to vector<16xf32>
      tpu.vector_store %arg16[%swap3A], %swap3A_188 {strides = array<i32>} : memref<640xf32, #tpu.memory_space<vmem>>, vector<16xf32>,
      %mul3A_189 = arith.constant 16 : i32
      %mul3A_190 = arith.muli %scan3A_143, %mul3A_189 : i32
      %get3A_191 = arith.index_cast %mul3A_190 : i32 to index
      %get3A_192 = tpu.vector_load %arg15[%get3A_191] {strides = array<i32>} : memref<640xf32, #tpu.memory_space<vmem>>, vector<16xf32>,
      %get3A_193 = vector.shape_cast %get3A_192 : vector<16xf32> to vector<16xf32>
      %mul3A_194 = arith.mulf %mul3A_183, %get3A_193 : vector<16xf32>
      %mul3A_195 = arith.constant 16 : i32
      %mul3A_196 = arith.muli %scan3A_143, %mul3A_195 : i32
      %swap3A_197 = arith.index_cast %mul3A_196 : i32 to index
      %swap3A_198 = tpu.vector_load %arg15[%swap3A_197] {strides = array<i32>} : memref<640xf32, #tpu.memory_space<vmem>>, vector<16xf32>,
      %swap3A_199 = vector.shape_cast %swap3A_198 : vector<16xf32> to vector<16xf32>
      %swap3A_200 = vector.shape_cast %mul3A_194 : vector<16xf32> to vector<16xf32>
      tpu.vector_store %arg15[%swap3A_197], %swap3A_200 {strides = array<i32>} : memref<640xf32, #tpu.memory_space<vmem>>, vector<16xf32>,
      %scan3A_201 = arith.constant 0 : i32
      scf.yield %scan3A_201 : i32
    }
    %scan3A_48 = arith.constant 40 : i32
    %mul3A_49 = arith.constant 640 : i32
    %mul3A_50 = arith.muli %arg1, %mul3A_49 : i32
    "tpu.region"() ({
      %run_scoped3A_143 = tpu.sem_alloc : memref<!tpu.dma_semaphore, #tpu.memory_space<semaphore_mem>>
      %dma_start3A_144 = tpu.memref_slice %arg19[%mul3A_50] : memref<10240xf32, #tpu.memory_space<vmem_shared>> -> memref<640xf32, #tpu.memory_space<vmem_shared>>
      %dma_start3A_145 = tpu.memref_slice %arg19[%mul3A_50] : memref<10240xf32, #tpu.memory_space<vmem_shared>> -> memref<640xf32, #tpu.memory_space<vmem_shared>>
      tpu.enqueue_dma source(%arg15 : memref<640xf32, #tpu.memory_space<vmem>>) target(%dma_start3A_145 : memref<640xf32, #tpu.memory_space<vmem_shared>>) target_semaphore(%run_scoped3A_143 : memref<!tpu.dma_semaphore, #tpu.memory_space<semaphore_mem>>)
      %dma_wait3A_146 = tpu.memref_slice %arg19[%mul3A_50] : memref<10240xf32, #tpu.memory_space<vmem_shared>> -> memref<640xf32, #tpu.memory_space<vmem_shared>>
      %dma_wait3A_147 = tpu.memref_slice %arg19[%mul3A_50] : memref<10240xf32, #tpu.memory_space<vmem_shared>> -> memref<640xf32, #tpu.memory_space<vmem_shared>>
      tpu.wait_dma2 semaphore(%run_scoped3A_143 : memref<!tpu.dma_semaphore, #tpu.memory_space<semaphore_mem>>) src(%arg15 : memref<640xf32, #tpu.memory_space<vmem>>) dst(%dma_wait3A_147 : memref<640xf32, #tpu.memory_space<vmem_shared>>)
      tpu.yield
    }) : () -> ()
    %eq3A = arith.constant 0 : i32
    %eq3A_51 = arith.cmpi eq, %arg0, %eq3A : i32
    %convert_element_type3A = arith.extui %eq3A_51 : i1 to i32
    %cond3A = arith.constant 0 : i32
    %cond3A_52 = arith.cmpi ne, %convert_element_type3A, %cond3A : i32
    scf.if %cond3A_52 {
      %mul3A_143 = arith.constant 640 : i32
      %mul3A_144 = arith.muli %arg1, %mul3A_143 : i32
      "tpu.region"() ({
        %run_scoped3A_147 = tpu.sem_alloc : memref<!tpu.dma_semaphore, #tpu.memory_space<semaphore_mem>>
        %dma_start3A_148 = tpu.memref_slice %arg6[%mul3A_144] : memref<10240xf32, #tpu.memory_space<hbm>> -> memref<640xf32, #tpu.memory_space<hbm>>
        %dma_start3A_149 = tpu.memref_slice %arg6[%mul3A_144] : memref<10240xf32, #tpu.memory_space<hbm>> -> memref<640xf32, #tpu.memory_space<hbm>>
        tpu.enqueue_dma source(%arg16 : memref<640xf32, #tpu.memory_space<vmem>>) target(%dma_start3A_149 : memref<640xf32, #tpu.memory_space<hbm>>) target_semaphore(%run_scoped3A_147 : memref<!tpu.dma_semaphore, #tpu.memory_space<semaphore_mem>>)
        %dma_wait3A_150 = tpu.memref_slice %arg6[%mul3A_144] : memref<10240xf32, #tpu.memory_space<hbm>> -> memref<640xf32, #tpu.memory_space<hbm>>
        %dma_wait3A_151 = tpu.memref_slice %arg6[%mul3A_144] : memref<10240xf32, #tpu.memory_space<hbm>> -> memref<640xf32, #tpu.memory_space<hbm>>
        tpu.wait_dma2 semaphore(%run_scoped3A_147 : memref<!tpu.dma_semaphore, #tpu.memory_space<semaphore_mem>>) src(%arg16 : memref<640xf32, #tpu.memory_space<vmem>>) dst(%dma_wait3A_151 : memref<640xf32, #tpu.memory_space<hbm>>)
        tpu.yield
      }) : () -> ()
      %mul3A_145 = arith.constant 640 : i32
      %mul3A_146 = arith.muli %arg1, %mul3A_145 : i32
      "tpu.region"() ({
        %run_scoped3A_147 = tpu.sem_alloc : memref<!tpu.dma_semaphore, #tpu.memory_space<semaphore_mem>>
        %dma_start3A_148 = tpu.memref_slice %arg7[%mul3A_146] : memref<10240xf32, #tpu.memory_space<hbm>> -> memref<640xf32, #tpu.memory_space<hbm>>
        %dma_start3A_149 = tpu.memref_slice %arg7[%mul3A_146] : memref<10240xf32, #tpu.memory_space<hbm>> -> memref<640xf32, #tpu.memory_space<hbm>>
        tpu.enqueue_dma source(%arg15 : memref<640xf32, #tpu.memory_space<vmem>>) target(%dma_start3A_149 : memref<640xf32, #tpu.memory_space<hbm>>) target_semaphore(%run_scoped3A_147 : memref<!tpu.dma_semaphore, #tpu.memory_space<semaphore_mem>>)
        %dma_wait3A_150 = tpu.memref_slice %arg7[%mul3A_146] : memref<10240xf32, #tpu.memory_space<hbm>> -> memref<640xf32, #tpu.memory_space<hbm>>
        %dma_wait3A_151 = tpu.memref_slice %arg7[%mul3A_146] : memref<10240xf32, #tpu.memory_space<hbm>> -> memref<640xf32, #tpu.memory_space<hbm>>
        tpu.wait_dma2 semaphore(%run_scoped3A_147 : memref<!tpu.dma_semaphore, #tpu.memory_space<semaphore_mem>>) src(%arg15 : memref<640xf32, #tpu.memory_space<vmem>>) dst(%dma_wait3A_151 : memref<640xf32, #tpu.memory_space<hbm>>)
        tpu.yield
      }) : () -> ()
    } else {
    }
    %barrier3A_53 = arith.constant 0 : index
    tpu.barrier barrier_id(%barrier3A_53)
    %dma_start3A = arith.constant 0 : i32
    %dma_start3A_54 = arith.constant 0 : i32
    %dma_start3A_55 = arith.constant 0 : i32
    %dma_start3A_56 = tpu.memref_slice %arg11[%dma_start3A, %dma_start3A_54, %dma_start3A_55] : memref<5x1x2000xi32, #tpu.memory_space<vmem>> -> memref<1x1x2000xi32, #tpu.memory_space<vmem>>
    %dma_start3A_57 = tpu.memref_squeeze %dma_start3A_56 : memref<1x1x2000xi32, #tpu.memory_space<vmem>> -> memref<2000xi32, #tpu.memory_space<vmem>>
    %dma_start3A_58 = arith.constant 0 : i32
    %dma_start3A_59 = tpu.memref_slice %arg19[%dma_start3A_58] : memref<10240xf32, #tpu.memory_space<vmem_shared>> -> memref<10240xf32, #tpu.memory_space<vmem_shared>>
    tpu.enqueue_indirect_dma source(%dma_start3A_59 : memref<10240xf32, #tpu.memory_space<vmem_shared>>) target(%arg13 : memref<2000xf32, #tpu.memory_space<vmem>>) offsets(%dma_start3A_57 : memref<2000xi32, #tpu.memory_space<vmem>>) semaphore(%arg21 : memref<!tpu.dma_semaphore, #tpu.memory_space<semaphore_mem>>)
    %dma_wait3A = arith.constant 0 : i32
    %dma_wait3A_60 = arith.constant 0 : i32
    %dma_wait3A_61 = arith.constant 0 : i32
    %dma_wait3A_62 = tpu.memref_slice %arg11[%dma_wait3A, %dma_wait3A_60, %dma_wait3A_61] : memref<5x1x2000xi32, #tpu.memory_space<vmem>> -> memref<1x1x2000xi32, #tpu.memory_space<vmem>>
    %dma_wait3A_63 = tpu.memref_squeeze %dma_wait3A_62 : memref<1x1x2000xi32, #tpu.memory_space<vmem>> -> memref<2000xi32, #tpu.memory_space<vmem>>
    %dma_wait3A_64 = arith.constant 0 : i32
    %dma_wait3A_65 = tpu.memref_slice %arg19[%dma_wait3A_64] : memref<10240xf32, #tpu.memory_space<vmem_shared>> -> memref<10240xf32, #tpu.memory_space<vmem_shared>>
    tpu.wait_indirect_dma semaphore(%arg21 : memref<!tpu.dma_semaphore, #tpu.memory_space<semaphore_mem>>) src(%dma_wait3A_65 : memref<10240xf32, #tpu.memory_space<vmem_shared>>) dst(%arg13 : memref<2000xf32, #tpu.memory_space<vmem>>)
    %run_scoped3A_66 = arith.constant 0 : i32
    %run_scoped3A_67 = arith.constant 0 : i32
    "tpu.region"() ({
      %run_scoped3A_143 = tpu.sem_alloc : memref<!tpu.dma_semaphore, #tpu.memory_space<semaphore_mem>>
      %dma_start3A_144 = arith.constant 0 : i32
      %dma_start3A_145 = tpu.memref_slice %arg12[%run_scoped3A_66, %run_scoped3A_67, %dma_start3A_144] : memref<5x1x2000xi32, #tpu.memory_space<vmem>> -> memref<1x1x2000xi32, #tpu.memory_space<vmem>>
      %dma_start3A_146 = tpu.memref_squeeze %dma_start3A_145 : memref<1x1x2000xi32, #tpu.memory_space<vmem>> -> memref<2000xi32, #tpu.memory_space<vmem>>
      %dma_start3A_147 = arith.constant 0 : i32
      %dma_start3A_148 = tpu.memref_slice %arg20[%dma_start3A_147] : memref<10240xf32, #tpu.memory_space<vmem_shared>> -> memref<10240xf32, #tpu.memory_space<vmem_shared>>
      tpu.enqueue_indirect_dma source(%arg13 : memref<2000xf32, #tpu.memory_space<vmem>>) target(%dma_start3A_148 : memref<10240xf32, #tpu.memory_space<vmem_shared>>) offsets(%dma_start3A_146 : memref<2000xi32, #tpu.memory_space<vmem>>) semaphore(%run_scoped3A_143 : memref<!tpu.dma_semaphore, #tpu.memory_space<semaphore_mem>>) {add = true}
      %dma_wait3A_149 = arith.constant 0 : i32
      %dma_wait3A_150 = tpu.memref_slice %arg12[%run_scoped3A_66, %run_scoped3A_67, %dma_wait3A_149] : memref<5x1x2000xi32, #tpu.memory_space<vmem>> -> memref<1x1x2000xi32, #tpu.memory_space<vmem>>
      %dma_wait3A_151 = tpu.memref_squeeze %dma_wait3A_150 : memref<1x1x2000xi32, #tpu.memory_space<vmem>> -> memref<2000xi32, #tpu.memory_space<vmem>>
      %dma_wait3A_152 = arith.constant 0 : i32
      %dma_wait3A_153 = tpu.memref_slice %arg20[%dma_wait3A_152] : memref<10240xf32, #tpu.memory_space<vmem_shared>> -> memref<10240xf32, #tpu.memory_space<vmem_shared>>
      tpu.wait_indirect_dma semaphore(%run_scoped3A_143 : memref<!tpu.dma_semaphore, #tpu.memory_space<semaphore_mem>>) src(%arg13 : memref<2000xf32, #tpu.memory_space<vmem>>) dst(%dma_wait3A_153 : memref<10240xf32, #tpu.memory_space<vmem_shared>>)
      tpu.yield
    }) : () -> ()
    %dma_start3A_68 = arith.constant 1 : i32
    %dma_start3A_69 = arith.constant 0 : i32
    %dma_start3A_70 = arith.constant 0 : i32
    %dma_start3A_71 = tpu.memref_slice %arg11[%dma_start3A_68, %dma_start3A_69, %dma_start3A_70] : memref<5x1x2000xi32, #tpu.memory_space<vmem>> -> memref<1x1x2000xi32, #tpu.memory_space<vmem>>
    %dma_start3A_72 = tpu.memref_squeeze %dma_start3A_71 : memref<1x1x2000xi32, #tpu.memory_space<vmem>> -> memref<2000xi32, #tpu.memory_space<vmem>>
    %dma_start3A_73 = arith.constant 0 : i32
    %dma_start3A_74 = tpu.memref_slice %arg19[%dma_start3A_73] : memref<10240xf32, #tpu.memory_space<vmem_shared>> -> memref<10240xf32, #tpu.memory_space<vmem_shared>>
    tpu.enqueue_indirect_dma source(%dma_start3A_74 : memref<10240xf32, #tpu.memory_space<vmem_shared>>) target(%arg13 : memref<2000xf32, #tpu.memory_space<vmem>>) offsets(%dma_start3A_72 : memref<2000xi32, #tpu.memory_space<vmem>>) semaphore(%arg21 : memref<!tpu.dma_semaphore, #tpu.memory_space<semaphore_mem>>)
    %dma_wait3A_75 = arith.constant 1 : i32
    %dma_wait3A_76 = arith.constant 0 : i32
    %dma_wait3A_77 = arith.constant 0 : i32
    %dma_wait3A_78 = tpu.memref_slice %arg11[%dma_wait3A_75, %dma_wait3A_76, %dma_wait3A_77] : memref<5x1x2000xi32, #tpu.memory_space<vmem>> -> memref<1x1x2000xi32, #tpu.memory_space<vmem>>
    %dma_wait3A_79 = tpu.memref_squeeze %dma_wait3A_78 : memref<1x1x2000xi32, #tpu.memory_space<vmem>> -> memref<2000xi32, #tpu.memory_space<vmem>>
    %dma_wait3A_80 = arith.constant 0 : i32
    %dma_wait3A_81 = tpu.memref_slice %arg19[%dma_wait3A_80] : memref<10240xf32, #tpu.memory_space<vmem_shared>> -> memref<10240xf32, #tpu.memory_space<vmem_shared>>
    tpu.wait_indirect_dma semaphore(%arg21 : memref<!tpu.dma_semaphore, #tpu.memory_space<semaphore_mem>>) src(%dma_wait3A_81 : memref<10240xf32, #tpu.memory_space<vmem_shared>>) dst(%arg13 : memref<2000xf32, #tpu.memory_space<vmem>>)
    %run_scoped3A_82 = arith.constant 1 : i32
    %run_scoped3A_83 = arith.constant 0 : i32
    "tpu.region"() ({
      %run_scoped3A_143 = tpu.sem_alloc : memref<!tpu.dma_semaphore, #tpu.memory_space<semaphore_mem>>
      %dma_start3A_144 = arith.constant 0 : i32
      %dma_start3A_145 = tpu.memref_slice %arg12[%run_scoped3A_82, %run_scoped3A_83, %dma_start3A_144] : memref<5x1x2000xi32, #tpu.memory_space<vmem>> -> memref<1x1x2000xi32, #tpu.memory_space<vmem>>
      %dma_start3A_146 = tpu.memref_squeeze %dma_start3A_145 : memref<1x1x2000xi32, #tpu.memory_space<vmem>> -> memref<2000xi32, #tpu.memory_space<vmem>>
      %dma_start3A_147 = arith.constant 0 : i32
      %dma_start3A_148 = tpu.memref_slice %arg20[%dma_start3A_147] : memref<10240xf32, #tpu.memory_space<vmem_shared>> -> memref<10240xf32, #tpu.memory_space<vmem_shared>>
      tpu.enqueue_indirect_dma source(%arg13 : memref<2000xf32, #tpu.memory_space<vmem>>) target(%dma_start3A_148 : memref<10240xf32, #tpu.memory_space<vmem_shared>>) offsets(%dma_start3A_146 : memref<2000xi32, #tpu.memory_space<vmem>>) semaphore(%run_scoped3A_143 : memref<!tpu.dma_semaphore, #tpu.memory_space<semaphore_mem>>) {add = true}
      %dma_wait3A_149 = arith.constant 0 : i32
      %dma_wait3A_150 = tpu.memref_slice %arg12[%run_scoped3A_82, %run_scoped3A_83, %dma_wait3A_149] : memref<5x1x2000xi32, #tpu.memory_space<vmem>> -> memref<1x1x2000xi32, #tpu.memory_space<vmem>>
      %dma_wait3A_151 = tpu.memref_squeeze %dma_wait3A_150 : memref<1x1x2000xi32, #tpu.memory_space<vmem>> -> memref<2000xi32, #tpu.memory_space<vmem>>
      %dma_wait3A_152 = arith.constant 0 : i32
      %dma_wait3A_153 = tpu.memref_slice %arg20[%dma_wait3A_152] : memref<10240xf32, #tpu.memory_space<vmem_shared>> -> memref<10240xf32, #tpu.memory_space<vmem_shared>>
      tpu.wait_indirect_dma semaphore(%run_scoped3A_143 : memref<!tpu.dma_semaphore, #tpu.memory_space<semaphore_mem>>) src(%arg13 : memref<2000xf32, #tpu.memory_space<vmem>>) dst(%dma_wait3A_153 : memref<10240xf32, #tpu.memory_space<vmem_shared>>)
      tpu.yield
    }) : () -> ()
    %dma_start3A_84 = arith.constant 2 : i32
    %dma_start3A_85 = arith.constant 0 : i32
    %dma_start3A_86 = arith.constant 0 : i32
    %dma_start3A_87 = tpu.memref_slice %arg11[%dma_start3A_84, %dma_start3A_85, %dma_start3A_86] : memref<5x1x2000xi32, #tpu.memory_space<vmem>> -> memref<1x1x2000xi32, #tpu.memory_space<vmem>>
    %dma_start3A_88 = tpu.memref_squeeze %dma_start3A_87 : memref<1x1x2000xi32, #tpu.memory_space<vmem>> -> memref<2000xi32, #tpu.memory_space<vmem>>
    %dma_start3A_89 = arith.constant 0 : i32
    %dma_start3A_90 = tpu.memref_slice %arg19[%dma_start3A_89] : memref<10240xf32, #tpu.memory_space<vmem_shared>> -> memref<10240xf32, #tpu.memory_space<vmem_shared>>
    tpu.enqueue_indirect_dma source(%dma_start3A_90 : memref<10240xf32, #tpu.memory_space<vmem_shared>>) target(%arg13 : memref<2000xf32, #tpu.memory_space<vmem>>) offsets(%dma_start3A_88 : memref<2000xi32, #tpu.memory_space<vmem>>) semaphore(%arg21 : memref<!tpu.dma_semaphore, #tpu.memory_space<semaphore_mem>>)
    %dma_wait3A_91 = arith.constant 2 : i32
    %dma_wait3A_92 = arith.constant 0 : i32
    %dma_wait3A_93 = arith.constant 0 : i32
    %dma_wait3A_94 = tpu.memref_slice %arg11[%dma_wait3A_91, %dma_wait3A_92, %dma_wait3A_93] : memref<5x1x2000xi32, #tpu.memory_space<vmem>> -> memref<1x1x2000xi32, #tpu.memory_space<vmem>>
    %dma_wait3A_95 = tpu.memref_squeeze %dma_wait3A_94 : memref<1x1x2000xi32, #tpu.memory_space<vmem>> -> memref<2000xi32, #tpu.memory_space<vmem>>
    %dma_wait3A_96 = arith.constant 0 : i32
    %dma_wait3A_97 = tpu.memref_slice %arg19[%dma_wait3A_96] : memref<10240xf32, #tpu.memory_space<vmem_shared>> -> memref<10240xf32, #tpu.memory_space<vmem_shared>>
    tpu.wait_indirect_dma semaphore(%arg21 : memref<!tpu.dma_semaphore, #tpu.memory_space<semaphore_mem>>) src(%dma_wait3A_97 : memref<10240xf32, #tpu.memory_space<vmem_shared>>) dst(%arg13 : memref<2000xf32, #tpu.memory_space<vmem>>)
    %run_scoped3A_98 = arith.constant 2 : i32
    %run_scoped3A_99 = arith.constant 0 : i32
    "tpu.region"() ({
      %run_scoped3A_143 = tpu.sem_alloc : memref<!tpu.dma_semaphore, #tpu.memory_space<semaphore_mem>>
      %dma_start3A_144 = arith.constant 0 : i32
      %dma_start3A_145 = tpu.memref_slice %arg12[%run_scoped3A_98, %run_scoped3A_99, %dma_start3A_144] : memref<5x1x2000xi32, #tpu.memory_space<vmem>> -> memref<1x1x2000xi32, #tpu.memory_space<vmem>>
      %dma_start3A_146 = tpu.memref_squeeze %dma_start3A_145 : memref<1x1x2000xi32, #tpu.memory_space<vmem>> -> memref<2000xi32, #tpu.memory_space<vmem>>
      %dma_start3A_147 = arith.constant 0 : i32
      %dma_start3A_148 = tpu.memref_slice %arg20[%dma_start3A_147] : memref<10240xf32, #tpu.memory_space<vmem_shared>> -> memref<10240xf32, #tpu.memory_space<vmem_shared>>
      tpu.enqueue_indirect_dma source(%arg13 : memref<2000xf32, #tpu.memory_space<vmem>>) target(%dma_start3A_148 : memref<10240xf32, #tpu.memory_space<vmem_shared>>) offsets(%dma_start3A_146 : memref<2000xi32, #tpu.memory_space<vmem>>) semaphore(%run_scoped3A_143 : memref<!tpu.dma_semaphore, #tpu.memory_space<semaphore_mem>>) {add = true}
      %dma_wait3A_149 = arith.constant 0 : i32
      %dma_wait3A_150 = tpu.memref_slice %arg12[%run_scoped3A_98, %run_scoped3A_99, %dma_wait3A_149] : memref<5x1x2000xi32, #tpu.memory_space<vmem>> -> memref<1x1x2000xi32, #tpu.memory_space<vmem>>
      %dma_wait3A_151 = tpu.memref_squeeze %dma_wait3A_150 : memref<1x1x2000xi32, #tpu.memory_space<vmem>> -> memref<2000xi32, #tpu.memory_space<vmem>>
      %dma_wait3A_152 = arith.constant 0 : i32
      %dma_wait3A_153 = tpu.memref_slice %arg20[%dma_wait3A_152] : memref<10240xf32, #tpu.memory_space<vmem_shared>> -> memref<10240xf32, #tpu.memory_space<vmem_shared>>
      tpu.wait_indirect_dma semaphore(%run_scoped3A_143 : memref<!tpu.dma_semaphore, #tpu.memory_space<semaphore_mem>>) src(%arg13 : memref<2000xf32, #tpu.memory_space<vmem>>) dst(%dma_wait3A_153 : memref<10240xf32, #tpu.memory_space<vmem_shared>>)
      tpu.yield
    }) : () -> ()
    %dma_start3A_100 = arith.constant 3 : i32
    %dma_start3A_101 = arith.constant 0 : i32
    %dma_start3A_102 = arith.constant 0 : i32
    %dma_start3A_103 = tpu.memref_slice %arg11[%dma_start3A_100, %dma_start3A_101, %dma_start3A_102] : memref<5x1x2000xi32, #tpu.memory_space<vmem>> -> memref<1x1x2000xi32, #tpu.memory_space<vmem>>
    %dma_start3A_104 = tpu.memref_squeeze %dma_start3A_103 : memref<1x1x2000xi32, #tpu.memory_space<vmem>> -> memref<2000xi32, #tpu.memory_space<vmem>>
    %dma_start3A_105 = arith.constant 0 : i32
    %dma_start3A_106 = tpu.memref_slice %arg19[%dma_start3A_105] : memref<10240xf32, #tpu.memory_space<vmem_shared>> -> memref<10240xf32, #tpu.memory_space<vmem_shared>>
    tpu.enqueue_indirect_dma source(%dma_start3A_106 : memref<10240xf32, #tpu.memory_space<vmem_shared>>) target(%arg13 : memref<2000xf32, #tpu.memory_space<vmem>>) offsets(%dma_start3A_104 : memref<2000xi32, #tpu.memory_space<vmem>>) semaphore(%arg21 : memref<!tpu.dma_semaphore, #tpu.memory_space<semaphore_mem>>)
    %dma_wait3A_107 = arith.constant 3 : i32
    %dma_wait3A_108 = arith.constant 0 : i32
    %dma_wait3A_109 = arith.constant 0 : i32
    %dma_wait3A_110 = tpu.memref_slice %arg11[%dma_wait3A_107, %dma_wait3A_108, %dma_wait3A_109] : memref<5x1x2000xi32, #tpu.memory_space<vmem>> -> memref<1x1x2000xi32, #tpu.memory_space<vmem>>
    %dma_wait3A_111 = tpu.memref_squeeze %dma_wait3A_110 : memref<1x1x2000xi32, #tpu.memory_space<vmem>> -> memref<2000xi32, #tpu.memory_space<vmem>>
    %dma_wait3A_112 = arith.constant 0 : i32
    %dma_wait3A_113 = tpu.memref_slice %arg19[%dma_wait3A_112] : memref<10240xf32, #tpu.memory_space<vmem_shared>> -> memref<10240xf32, #tpu.memory_space<vmem_shared>>
    tpu.wait_indirect_dma semaphore(%arg21 : memref<!tpu.dma_semaphore, #tpu.memory_space<semaphore_mem>>) src(%dma_wait3A_113 : memref<10240xf32, #tpu.memory_space<vmem_shared>>) dst(%arg13 : memref<2000xf32, #tpu.memory_space<vmem>>)
    %run_scoped3A_114 = arith.constant 3 : i32
    %run_scoped3A_115 = arith.constant 0 : i32
    "tpu.region"() ({
      %run_scoped3A_143 = tpu.sem_alloc : memref<!tpu.dma_semaphore, #tpu.memory_space<semaphore_mem>>
      %dma_start3A_144 = arith.constant 0 : i32
      %dma_start3A_145 = tpu.memref_slice %arg12[%run_scoped3A_114, %run_scoped3A_115, %dma_start3A_144] : memref<5x1x2000xi32, #tpu.memory_space<vmem>> -> memref<1x1x2000xi32, #tpu.memory_space<vmem>>
      %dma_start3A_146 = tpu.memref_squeeze %dma_start3A_145 : memref<1x1x2000xi32, #tpu.memory_space<vmem>> -> memref<2000xi32, #tpu.memory_space<vmem>>
      %dma_start3A_147 = arith.constant 0 : i32
      %dma_start3A_148 = tpu.memref_slice %arg20[%dma_start3A_147] : memref<10240xf32, #tpu.memory_space<vmem_shared>> -> memref<10240xf32, #tpu.memory_space<vmem_shared>>
      tpu.enqueue_indirect_dma source(%arg13 : memref<2000xf32, #tpu.memory_space<vmem>>) target(%dma_start3A_148 : memref<10240xf32, #tpu.memory_space<vmem_shared>>) offsets(%dma_start3A_146 : memref<2000xi32, #tpu.memory_space<vmem>>) semaphore(%run_scoped3A_143 : memref<!tpu.dma_semaphore, #tpu.memory_space<semaphore_mem>>) {add = true}
      %dma_wait3A_149 = arith.constant 0 : i32
      %dma_wait3A_150 = tpu.memref_slice %arg12[%run_scoped3A_114, %run_scoped3A_115, %dma_wait3A_149] : memref<5x1x2000xi32, #tpu.memory_space<vmem>> -> memref<1x1x2000xi32, #tpu.memory_space<vmem>>
      %dma_wait3A_151 = tpu.memref_squeeze %dma_wait3A_150 : memref<1x1x2000xi32, #tpu.memory_space<vmem>> -> memref<2000xi32, #tpu.memory_space<vmem>>
      %dma_wait3A_152 = arith.constant 0 : i32
      %dma_wait3A_153 = tpu.memref_slice %arg20[%dma_wait3A_152] : memref<10240xf32, #tpu.memory_space<vmem_shared>> -> memref<10240xf32, #tpu.memory_space<vmem_shared>>
      tpu.wait_indirect_dma semaphore(%run_scoped3A_143 : memref<!tpu.dma_semaphore, #tpu.memory_space<semaphore_mem>>) src(%arg13 : memref<2000xf32, #tpu.memory_space<vmem>>) dst(%dma_wait3A_153 : memref<10240xf32, #tpu.memory_space<vmem_shared>>)
      tpu.yield
    }) : () -> ()
    %dma_start3A_116 = arith.constant 4 : i32
    %dma_start3A_117 = arith.constant 0 : i32
    %dma_start3A_118 = arith.constant 0 : i32
    %dma_start3A_119 = tpu.memref_slice %arg11[%dma_start3A_116, %dma_start3A_117, %dma_start3A_118] : memref<5x1x2000xi32, #tpu.memory_space<vmem>> -> memref<1x1x2000xi32, #tpu.memory_space<vmem>>
    %dma_start3A_120 = tpu.memref_squeeze %dma_start3A_119 : memref<1x1x2000xi32, #tpu.memory_space<vmem>> -> memref<2000xi32, #tpu.memory_space<vmem>>
    %dma_start3A_121 = arith.constant 0 : i32
    %dma_start3A_122 = tpu.memref_slice %arg19[%dma_start3A_121] : memref<10240xf32, #tpu.memory_space<vmem_shared>> -> memref<10240xf32, #tpu.memory_space<vmem_shared>>
    tpu.enqueue_indirect_dma source(%dma_start3A_122 : memref<10240xf32, #tpu.memory_space<vmem_shared>>) target(%arg13 : memref<2000xf32, #tpu.memory_space<vmem>>) offsets(%dma_start3A_120 : memref<2000xi32, #tpu.memory_space<vmem>>) semaphore(%arg21 : memref<!tpu.dma_semaphore, #tpu.memory_space<semaphore_mem>>)
    %dma_wait3A_123 = arith.constant 4 : i32
    %dma_wait3A_124 = arith.constant 0 : i32
    %dma_wait3A_125 = arith.constant 0 : i32
    %dma_wait3A_126 = tpu.memref_slice %arg11[%dma_wait3A_123, %dma_wait3A_124, %dma_wait3A_125] : memref<5x1x2000xi32, #tpu.memory_space<vmem>> -> memref<1x1x2000xi32, #tpu.memory_space<vmem>>
    %dma_wait3A_127 = tpu.memref_squeeze %dma_wait3A_126 : memref<1x1x2000xi32, #tpu.memory_space<vmem>> -> memref<2000xi32, #tpu.memory_space<vmem>>
    %dma_wait3A_128 = arith.constant 0 : i32
    %dma_wait3A_129 = tpu.memref_slice %arg19[%dma_wait3A_128] : memref<10240xf32, #tpu.memory_space<vmem_shared>> -> memref<10240xf32, #tpu.memory_space<vmem_shared>>
    tpu.wait_indirect_dma semaphore(%arg21 : memref<!tpu.dma_semaphore, #tpu.memory_space<semaphore_mem>>) src(%dma_wait3A_129 : memref<10240xf32, #tpu.memory_space<vmem_shared>>) dst(%arg13 : memref<2000xf32, #tpu.memory_space<vmem>>)
    %run_scoped3A_130 = arith.constant 4 : i32
    %run_scoped3A_131 = arith.constant 0 : i32
    "tpu.region"() ({
      %run_scoped3A_143 = tpu.sem_alloc : memref<!tpu.dma_semaphore, #tpu.memory_space<semaphore_mem>>
      %dma_start3A_144 = arith.constant 0 : i32
      %dma_start3A_145 = tpu.memref_slice %arg12[%run_scoped3A_130, %run_scoped3A_131, %dma_start3A_144] : memref<5x1x2000xi32, #tpu.memory_space<vmem>> -> memref<1x1x2000xi32, #tpu.memory_space<vmem>>
      %dma_start3A_146 = tpu.memref_squeeze %dma_start3A_145 : memref<1x1x2000xi32, #tpu.memory_space<vmem>> -> memref<2000xi32, #tpu.memory_space<vmem>>
      %dma_start3A_147 = arith.constant 0 : i32
      %dma_start3A_148 = tpu.memref_slice %arg20[%dma_start3A_147] : memref<10240xf32, #tpu.memory_space<vmem_shared>> -> memref<10240xf32, #tpu.memory_space<vmem_shared>>
      tpu.enqueue_indirect_dma source(%arg13 : memref<2000xf32, #tpu.memory_space<vmem>>) target(%dma_start3A_148 : memref<10240xf32, #tpu.memory_space<vmem_shared>>) offsets(%dma_start3A_146 : memref<2000xi32, #tpu.memory_space<vmem>>) semaphore(%run_scoped3A_143 : memref<!tpu.dma_semaphore, #tpu.memory_space<semaphore_mem>>) {add = true}
      %dma_wait3A_149 = arith.constant 0 : i32
      %dma_wait3A_150 = tpu.memref_slice %arg12[%run_scoped3A_130, %run_scoped3A_131, %dma_wait3A_149] : memref<5x1x2000xi32, #tpu.memory_space<vmem>> -> memref<1x1x2000xi32, #tpu.memory_space<vmem>>
      %dma_wait3A_151 = tpu.memref_squeeze %dma_wait3A_150 : memref<1x1x2000xi32, #tpu.memory_space<vmem>> -> memref<2000xi32, #tpu.memory_space<vmem>>
      %dma_wait3A_152 = arith.constant 0 : i32
      %dma_wait3A_153 = tpu.memref_slice %arg20[%dma_wait3A_152] : memref<10240xf32, #tpu.memory_space<vmem_shared>> -> memref<10240xf32, #tpu.memory_space<vmem_shared>>
      tpu.wait_indirect_dma semaphore(%run_scoped3A_143 : memref<!tpu.dma_semaphore, #tpu.memory_space<semaphore_mem>>) src(%arg13 : memref<2000xf32, #tpu.memory_space<vmem>>) dst(%dma_wait3A_153 : memref<10240xf32, #tpu.memory_space<vmem_shared>>)
      tpu.yield
    }) : () -> ()
    %barrier3A_132 = arith.constant 0 : index
    tpu.barrier barrier_id(%barrier3A_132)
    %eq3A_133 = arith.constant 0 : i32
    %eq3A_134 = arith.cmpi eq, %arg0, %eq3A_133 : i32
    %convert_element_type3A_135 = arith.extui %eq3A_134 : i1 to i32
    %cond3A_136 = arith.constant 0 : i32
    %cond3A_137 = arith.cmpi ne, %convert_element_type3A_135, %cond3A_136 : i32
    scf.if %cond3A_137 {
      %mul3A_143 = arith.constant 640 : i32
      %mul3A_144 = arith.muli %arg1, %mul3A_143 : i32
      %mul3A_145 = arith.constant 640 : i32
      %mul3A_146 = arith.muli %arg1, %mul3A_145 : i32
      "tpu.region"() ({
        %run_scoped3A_147 = tpu.sem_alloc : memref<!tpu.dma_semaphore, #tpu.memory_space<semaphore_mem>>
        %dma_start3A_148 = tpu.memref_slice %arg8[%mul3A_146] : memref<10240xf32, #tpu.memory_space<hbm>> -> memref<640xf32, #tpu.memory_space<hbm>>
        %dma_start3A_149 = tpu.memref_slice %arg20[%mul3A_144] : memref<10240xf32, #tpu.memory_space<vmem_shared>> -> memref<640xf32, #tpu.memory_space<vmem_shared>>
        tpu.enqueue_dma source(%dma_start3A_149 : memref<640xf32, #tpu.memory_space<vmem_shared>>) target(%dma_start3A_148 : memref<640xf32, #tpu.memory_space<hbm>>) target_semaphore(%run_scoped3A_147 : memref<!tpu.dma_semaphore, #tpu.memory_space<semaphore_mem>>)
        %dma_wait3A_150 = tpu.memref_slice %arg8[%mul3A_146] : memref<10240xf32, #tpu.memory_space<hbm>> -> memref<640xf32, #tpu.memory_space<hbm>>
        %dma_wait3A_151 = tpu.memref_slice %arg20[%mul3A_144] : memref<10240xf32, #tpu.memory_space<vmem_shared>> -> memref<640xf32, #tpu.memory_space<vmem_shared>>
        tpu.wait_dma2 semaphore(%run_scoped3A_147 : memref<!tpu.dma_semaphore, #tpu.memory_space<semaphore_mem>>) src(%dma_wait3A_151 : memref<640xf32, #tpu.memory_space<vmem_shared>>) dst(%dma_wait3A_150 : memref<640xf32, #tpu.memory_space<hbm>>)
        tpu.yield
      }) : () -> ()
    } else {
    }
    %eq3A_138 = arith.constant 1 : i32
    %eq3A_139 = arith.cmpi eq, %arg0, %eq3A_138 : i32
    %convert_element_type3A_140 = arith.extui %eq3A_139 : i1 to i32
    %cond3A_141 = arith.constant 0 : i32
    %cond3A_142 = arith.cmpi ne, %convert_element_type3A_140, %cond3A_141 : i32
    scf.if %cond3A_142 {
      %mul3A_143 = arith.constant 640 : i32
      %mul3A_144 = arith.muli %arg1, %mul3A_143 : i32
      %mul3A_145 = arith.constant 640 : i32
      %mul3A_146 = arith.muli %arg1, %mul3A_145 : i32
      "tpu.region"() ({
        %run_scoped3A_147 = tpu.sem_alloc : memref<!tpu.dma_semaphore, #tpu.memory_space<semaphore_mem>>
        %dma_start3A_148 = tpu.memref_slice %arg9[%mul3A_146] : memref<10240xf32, #tpu.memory_space<hbm>> -> memref<640xf32, #tpu.memory_space<hbm>>
        %dma_start3A_149 = tpu.memref_slice %arg20[%mul3A_144] : memref<10240xf32, #tpu.memory_space<vmem_shared>> -> memref<640xf32, #tpu.memory_space<vmem_shared>>
        tpu.enqueue_dma source(%dma_start3A_149 : memref<640xf32, #tpu.memory_space<vmem_shared>>) target(%dma_start3A_148 : memref<640xf32, #tpu.memory_space<hbm>>) target_semaphore(%run_scoped3A_147 : memref<!tpu.dma_semaphore, #tpu.memory_space<semaphore_mem>>)
        %dma_wait3A_150 = tpu.memref_slice %arg9[%mul3A_146] : memref<10240xf32, #tpu.memory_space<hbm>> -> memref<640xf32, #tpu.memory_space<hbm>>
        %dma_wait3A_151 = tpu.memref_slice %arg20[%mul3A_144] : memref<10240xf32, #tpu.memory_space<vmem_shared>> -> memref<640xf32, #tpu.memory_space<vmem_shared>>
        tpu.wait_dma2 semaphore(%run_scoped3A_147 : memref<!tpu.dma_semaphore, #tpu.memory_space<semaphore_mem>>) src(%dma_wait3A_151 : memref<640xf32, #tpu.memory_space<vmem_shared>>) dst(%dma_wait3A_150 : memref<640xf32, #tpu.memory_space<hbm>>)
        tpu.yield
      }) : () -> ()
    } else {
    }
    return
  }
}

</mosaic_0001>

<sc_bundles>
// kernel: _front_call.3.cloned.1.call-start
scs
__scs_entry_jumppad:
0x0: {  	(pc) =	sbr.rel $0x88, $3  }
0x1: {  	(tag) =	ssettag $0x0;
	lr =	simm.s32 $0x1  }
0x2: {  	[smem:$0x3F9D] =	sst lr;
	_ =	strace $0xD0000000  }
0x3: {  	_ = 	snop  }
0x4: {  	_ = 	snop  }
0x5: {  	_ = 	snop  }
0x6: {  	_ = 	snop  }
0x7: {  	_ = 	snop  }
__scs_overlays_trampoline_lowered:
0x8: {  	[smem:$0x3FAC] =	sst s0  }
0x9: {  	[smem:$0x3FAD] =	sst s1  }
0xa: {  	[smem:$0x3FAE] =	sst s2  }
0xb: {  	[smem:$0x3FAF] =	sst s3  }
0xc: {  	[smem:$0x3FB0] =	sst s4  }
0xd: {  	[smem:$0x3FB1] =	sst s5  }
0xe: {  	[smem:$0x3FB2] =	sst s6  }
0xf: {  	[smem:$0x3FB3] =	sst s7  }
0x10: {  	[smem:$0x3FB4] =	sst s8  }
0x11: {  	[smem:$0x3FB5] =	sst s9;
	s0 =	simm.s32 @!p0 $0x0  }
0x12: {  	s1 =	sld [smem:$0x3F9B];
	s0 =	simm.s32 @p0 $0x1  }
0x13: {  	[smem:$0x3FB6] =	sst s0;
	s0 =	simm.s32 @!p1 $0x0  }
0x14: {  	s2 =	sld [smem:$0x3F9A];
	s0 =	simm.s32 @p1 $0x1  }
0x15: {  	[smem:$0x3FB7] =	sst s0;
	s0 =	simm.s32 @!p2 $0x0  }
0x16: {  	s3 =	sld [smem:$0x3FDB];
	s0 =	simm.s32 @p2 $0x1  }
0x17: {  	s4 =	simm.s32 $0x1BF5;
	[smem:$0x3FB9] =	sst s0  }
0x18: {  	s0 =	sld [smem:$0x3F9C];
	_ =	swait.ge [sflag:s4], $0x0  }
0x19: {  	s7 =	sld [smem:$0x3F9D]  }
0x1a: {  	s8 =	sadd.s32 $0xFFFFE003, lr  }
0x1b: {  	s9 =	sadd.s32 $0xFFFFFEF7, lr;
	s5 =	simm.s32 $0xFFFFFFFF;
	p2 =	slt.u32 s8, $0xFFFFF086  }
0x1c: {  	p1 =	slt.u32 s9, $0xF7A;
	s5 =	simm.s32 @!p2 $0x0  }
0x1d: {  	s5 =	simm.s32 @p1 $0x1;
	p0 =	seq.s32 s7, s2  }
0x1e: {  	s7 =	smul.u32 @!p0 $0xF7A, s2;
	p2 =	seq.s32 @!p0 s5, $0x0  }
0x1f: {  	s9 =	smul.u32 $0xF7A, s1;
	s8 =	simm.s32 @!p0 $0x1BF5;
	p2 =	por !p2, p0  }
0x20: {  	[sflag:s8] =	ssyncset.s32 @!p0 $0xFFFFF086;
	s6 =	sadd.s32 @!p0 s3, s7;
	s7 =	simm.s32 @!p0 $0x108  }
0x21: {  	s3 =	sadd.s32 s3, s9;
	s6 =	sadd.s32 @!p0 $0x88, s6;
	s7 =	simm.s32 @p2 $0x1082  }
0x22: {  	[simem:s7], [sflag:s8] =	dma.local @!p0 [hbm:s6], $0xF7A  }
0x23: {  	s9 =	sor.u32 $0xD0000000, s2;
	s6 =	simm.s32 $0x108;
	_ =	swait.ge @!p0 [sflag:s8], $0x0  }
0x24: {  	s3 =	sadd.s32 $0x88, s3;
	s6 =	simm.s32 @!p1 $0x1082;
	[sflag:s4] =	ssyncset.s32 $0xFFFFF086  }
0x25: {  	[simem:s6], [sflag:s4] =	dma.local [hbm:s3], $0xF7A  }
0x26: {  	[smem:$0x3F9D] =	sst s1;
	(tag) =	ssettag s2;
	_ =	strace s9  }
0x27: {  	s1 =	sld [smem:$0x3FAD]  }
0x28: {  	s2 =	sld [smem:$0x3FAE]  }
0x29: {  	s4 =	sld [smem:$0x3FB0]  }
0x2a: {  	p0 =	seq.s32 s5, $0x0;
	s5 =	sld [smem:$0x3FB1]  }
0x2b: {  	s6 =	sld [smem:$0x3FB2]  }
0x2c: {  	s7 =	sld [smem:$0x3FB3]  }
0x2d: {  	s3 =	simm.s32 $0x108;
	s8 =	sld [smem:$0x3FB4]  }
0x2e: {  	s3 =	simm.s32 @!p0 $0x1082;
	s9 =	sld [smem:$0x3FB5]  }
0x2f: {  	lr =	sadd.s32 s0, s3;
	s0 =	sld [smem:$0x3FAC]  }
0x30: {  	s3 =	sld [smem:$0x3FAF]  }
0x31: {  	[smem:$0x3FB8] =	sst s10  }
0x32: {  	s10 =	sld [smem:$0x3FB6];
	_ =	sdelay $0x3  }
0x33: {  	p0 =	seq.s32 s10, $0x1;
	s10 =	sld [smem:$0x3FB8];
	_ =	sdelay $0x3  }
0x34: {  	[smem:$0x3FB8] =	sst s10  }
0x35: {  	s10 =	sld [smem:$0x3FB7];
	_ =	sdelay $0x3  }
0x36: {  	p1 =	seq.s32 s10, $0x1;
	s10 =	sld [smem:$0x3FB8];
	_ =	sdelay $0x3  }
0x37: {  	[smem:$0x3FB8] =	sst s10  }
0x38: {  	s10 =	sld [smem:$0x3FB9]  }
0x39: {  	_ = 	snop;
	(pc) =	sbr.ind lr, $3  }
0x3a: {  	_ = 	snop  }
0x3b: {  	_ = 	snop  }
0x3c: {  	p2 =	seq.s32 s10, $0x1;
	s10 =	sld [smem:$0x3FB8]  }
0x3d: {  	_ =	shalt  }
0x3e: {  	_ =	shalt  }
0x3f: {  	_ =	shalt  }
0x40: {  	_ =	shalt  }
0x41: {  	_ =	shalt  }
0x42: {  	_ =	shalt  }
0x43: {  	_ =	shalt  }
0x44: {  	_ =	shalt  }
0x45: {  	_ =	shalt  }
0x46: {  	_ =	shalt  }
0x47: {  	_ =	shalt  }
0x48: {  	_ =	shalt  }
0x49: {  	_ =	shalt  }
0x4a: {  	_ =	shalt  }
0x4b: {  	_ =	shalt  }
0x4c: {  	_ =	shalt  }
0x4d: {  	_ =	shalt  }
0x4e: {  	_ =	shalt  }
0x4f: {  	_ =	shalt  }
0x50: {  	_ =	shalt  }
0x51: {  	_ =	shalt  }
0x52: {  	_ =	shalt  }
0x53: {  	_ =	shalt  }
0x54: {  	_ =	shalt  }
0x55: {  	_ =	shalt  }
0x56: {  	_ =	shalt  }
0x57: {  	_ =	shalt  }
0x58: {  	_ =	shalt  }
0x59: {  	_ =	shalt  }
0x5a: {  	_ =	shalt  }
0x5b: {  	_ =	shalt  }
0x5c: {  	_ =	shalt  }
0x5d: {  	_ =	shalt  }
0x5e: {  	_ =	shalt  }
0x5f: {  	_ =	shalt  }
0x60: {  	_ =	shalt  }
0x61: {  	_ =	shalt  }
0x62: {  	_ =	shalt  }
0x63: {  	_ =	shalt  }
0x64: {  	_ =	shalt  }
0x65: {  	_ =	shalt  }
0x66: {  	_ =	shalt  }
0x67: {  	_ =	shalt  }
0x68: {  	_ =	shalt  }
0x69: {  	_ =	shalt  }
0x6a: {  	_ =	shalt  }
0x6b: {  	_ =	shalt  }
0x6c: {  	_ =	shalt  }
0x6d: {  	_ =	shalt  }
0x6e: {  	_ =	shalt  }
0x6f: {  	_ =	shalt  }
0x70: {  	_ =	shalt  }
0x71: {  	_ =	shalt  }
0x72: {  	_ =	shalt  }
0x73: {  	_ =	shalt  }
0x74: {  	_ =	shalt  }
0x75: {  	_ =	shalt  }
0x76: {  	_ =	shalt  }
0x77: {  	_ =	shalt  }
0x78: {  	_ =	shalt  }
0x79: {  	_ =	shalt  }
0x7a: {  	_ =	shalt  }
0x7b: {  	_ =	shalt  }
0x7c: {  	_ =	shalt  }
0x7d: {  	_ =	shalt  }
0x7e: {  	_ =	shalt  }
0x7f: {  	_ =	shalt  }
0x80: {  	_ =	shalt  }
0x81: {  	_ =	shalt  }
0x82: {  	_ =	shalt  }
0x83: {  	_ =	shalt  }
0x84: {  	_ =	shalt  }
0x85: {  	_ =	shalt  }
0x86: {  	_ =	shalt  }
0x87: {  	_ =	shalt  }
.Lfunc_end0:
.L_simem_size_0:
called_computation_lowered:
.L_overlay_start_0:
0x88: {  	s2 =	sld [smem:$0x3FD9]  }
0x89: {  	s3 =	sld [smem:$0x3FFE];
	_ =	sdelay $0x1  }
0x8a: {  	s1 =	srdreg.scid  }
0x8b: {  	s0 =	sand.u32 $0x1, s1  }
0x8c: {  	s15 =	sshll.u32 s0, $0xA;
	s2 =	sadd.s32 s3, s2  }
0x8d: {  	s2 =	sadd.s32 s2, s15  }
0x8e: {  	[smem:$0x3FC4] =	sst s2  }
0x8f: {  	_ = 	snop  }
0x90: {  	s2 =	sld [smem:$0x3FC9]  }
0x91: {  	s16 =	sld [smem:$0x3FD0]  }
0x92: {  	s4 =	sld [smem:$0x3FC8]  }
0x93: {  	s5 =	sld [smem:$0x3FC7]  }
0x94: {  	s7 =	simm.s32 $0xA;
	s8 =	simm.s32 $0x10;
	s6 =	sld [smem:$0x3FC6]  }
0x95: {  	[smem:s8], [sflag:s7] =	dma.local [hbm:s16], $0x1  }
0x96: {  	_ =	swait.eq [sflag:s7], $0x1  }
0x97: {  	s17 =	sld [smem:$0x10]  }
0x98: {  	s18 =	sld [smem:$0x11];
	[sflag:s7] =	ssyncset.done $0x0  }
0x99: {  	s9 =	sld [smem:$0x12];
	[sflag:s7] =	ssyncadd.s32 $0xFFFFFFFF  }
0x9a: {  	s19 =	sld [smem:$0x13];
	(tm) =	ssettm $0x1  }
0x9b: {  	s10 =	sld [smem:$0x3FFB];
	_ =	sdelay $0x3  }
0x9c: {  	_ =	strace s10  }
0x9d: {  	s10 =	sld [smem:$0x3FFC];
	_ =	sdelay $0x3  }
0x9e: {  	_ =	strace s10  }
0x9f: {  	s10 =	sld [smem:$0x3FFD];
	_ =	sdelay $0x3  }
0xa0: {  	_ =	strace s10  }
0xa1: {  	_ =	strace $0x8FFFFFFF  }
0xa2: {  	s20 =	sld [smem:$0x3FDB];
	_ =	sdelay $0x1  }
0xa3: {  	s11 =	simm.s32 $_scs_section_size  }
0xa4: {  	s12 =	simm.s32 $_size__tile_overlayer_lowered;
	s13 =	simm.s32 $_tile_overlayer_lowered  }
0xa5: {  	s23 =	simm.s32 $0x1BFF;
	s22 =	sshll.u32 s13, $0x1;
	s10 =	sadd.s32 s11, s20  }
0xa6: {  	s14 =	simm.s32 $0x0;
	s21 =	sshll.u32 s12, $0x1;
	s12 =	sadd.s32 s22, s10  }
0xa7: {  	[timem:s14], [sflag:s23] =	dma.local [hbm:s12], s21  }
0xa8: {  	_ =	swait.ge [sflag:s23], s21  }
0xa9: {  	s11 =	ssub.s32 $0x0, s21;
	[sflag:s23] =	ssyncset.done $0x0  }
0xaa: {  	[sflag:s23] =	ssyncadd.s32 s11;
	_ =	sdelay $0x1  }
0xab: {  	s24 =	simm.s32 $0x1B8B  }
0xac: {  	_ =	swait.ge [sflag:s24], $0x1  }
0xad: {  	[sflag:s24] =	ssyncset.done $0x0  }
0xae: {  	s25 =	simm.s32 $0x1B8E;
	[sflag:s24] =	ssyncadd.s32 $0xFFFFFFFF  }
0xaf: {  	s26 =	simm.s32 $execute0_lowered;
	[smem:$0x3FD2] =	sst s25  }
0xb0: {  	s11 =	sshll.u32 s26, $0x1;
	_ =	strace $0x80000046;
	[dreg:$0x1] =	wrdreg $0xFFFFFFFF  }
0xb1: {  	s28 =	simm.s32 $_size_execute0_lowered;
	s10 =	sadd.s32 s10, s11;
	[dreg:$0x0] =	wrdreg $0x0  }
0xb2: {  	s11 =	sshll.u32 s28, $0x1;
	[dreg:$0x2] =	wrdreg s10  }
0xb3: {  	[dreg:$0x3] =	wrdreg s11  }
0xb4: {  	[dreg:$0x4] =	wrdreg $0xC0  }
0xb5: {  	_ =	task [dreg:s14], $0x5FFFF  }
0xb6: {  	[dreg:$0x1] =	wrdreg $0xFFFFFFFF  }
0xb7: {  	[dreg:$0x0] =	wrdreg $0x60  }
0xb8: {  	[dreg:$0x2] =	wrdreg s2  }
0xb9: {  	[dreg:$0x3] =	wrdreg s4  }
0xba: {  	[dreg:$0x4] =	wrdreg s5  }
0xbb: {  	[dreg:$0x5] =	wrdreg s6  }
0xbc: {  	[dreg:$0x6] =	wrdreg s17  }
0xbd: {  	[dreg:$0x7] =	wrdreg s18  }
0xbe: {  	[dreg:$0x8] =	wrdreg s9  }
0xbf: {  	[dreg:$0x9] =	wrdreg s19  }
0xc0: {  	[dreg:$0xa] =	wrdreg $0xB7800  }
0xc1: {  	[dreg:$0xb] =	wrdreg $0xBC800  }
0xc2: {  	[dreg:$0xc] =	wrdreg $0xBA000  }
0xc3: {  	[dreg:$0xd] =	wrdreg $0x9  }
0xc4: {  	_ =	task.clear_ibuf [dreg:s14], $0xEFFFF;
	_ =	strace $0x90000046  }
0xc5: {  	s29 =	simm.s32 $0x9;
	_ =	strace $0x80000048  }
0xc6: {  	_ =	swait.ge [sflag:s29], $0x1  }
0xc7: {  	[sflag:s29] =	ssyncadd.s32 $0xFFFFFFFF  }
0xc8: {  	_ =	strace $0x90000048  }
0xc9: {  	_ =	sfence  }
0xca: {  	s30 =	sld [smem:$0x0];
	_ =	sdelay $0x2  }
0xcb: {  	s31 =	sshll.u32 s1, $0xD;
	s1 =	sshrl.u32 s1, $0x2  }
0xcc: {  	s3 =	sand.u32 $0x4000, s31;
	s1 =	sadd.s32 s1, s30  }
0xcd: {  	s0 =	sor.u32 s3, s0;
	s1 =	sshll.u32 s1, $0x11  }
0xce: {  	s0 =	sor.u32 s1, s0  }
0xcf: {  	s0 =	sadd.s32 $0x8F2B, s0  }
0xd0: {  	[sflag:s0] =	ssyncadd.remote.s32 $0x1  }
0xd1: {  	_ =	sfence.sel $0xFFFF  }
0xd2: {  	[dreg:$0x0] =	wrdreg $0xFFFFFFFF;
	(pc) =	sbr.abs _section_cstart, $3  }
0xd3: {  	[dreg:$0x1] =	wrdreg $0xFFFFFFFF  }
0xd4: {  	_ =	task.clear_ibuf [dreg:s14], $0x2FFFF;
	_ =	strace $0x9FFFFFFF  }
0xd5: {  	(tm) =	ssettm $0x7FFFFFFF  }
tec
execute0_lowered:
.L_overlay_start_1:
0x0: {  	(tag) =	ssettag $0x1  }
0x1: {  	s0 =	rddreg [dreg:$0x0]  }
0x2: {  	s4 =	rddreg [dreg:$0x1]  }
0x3: {  	s9 =	rddreg [dreg:$0x2]  }
0x4: {  	s10 =	rddreg [dreg:$0x3]  }
0x5: {  	s13 =	rddreg [dreg:$0x4]  }
0x6: {  	s14 =	rddreg [dreg:$0x5]  }
0x7: {  	s23 =	rddreg [dreg:$0x6]  }
0x8: {  	s24 =	rddreg [dreg:$0x7]  }
0x9: {  	s1 =	rddreg [dreg:$0x8]  }
0xa: {  	s2 =	rddreg [dreg:$0x9]  }
0xb: {  	s3 =	rddreg [dreg:$0xa];
	s5 =	simm.s32 $0x0  }
0xc: {  	s6 =	srdreg.scid;
	s8 =	stileid.u32;
	s17 =	simm.s32 $0x2  }
0xd: {  	s18 =	simm.s32 $0x5000;
	s19 =	simm.s32 $0x7800;
	s20 =	simm.s32 $0xAA80  }
0xe: {  	s22 =	simm.s32 $0xAF80;
	s26 =	simm.s32 $0xA000;
	s28 =	simm.s32 $0x1  }
0xf: {  	s25 =	simm.s32 $0x7000;
	s29 =	simm.s32 $0x9800;
	[smem:$0x7FF] =	sst s5  }
0x10: {  	s21 =	sand.u32 $0x1, s6;
	s30 =	sshll.u32 s8, $0x1;
	s12 =	smul.u32 $0x280, s8  }
0x11: {  	s8 =	smul.u32 $0xA00, s8;
	s7 =	ssub.s32 $0x2, s21;
	s6 =	sor.u32 s21, s30  }
0x12: {  	_ =	strace $0x80000047;
	p0 =	sne.s32 s21, $0x0;
	s21 =	simm.s32 $0x7D0  }
0x13: {  	s11 =	sshrl.u32 s7, $0x1;
	s15 =	smul.u32 $0x500, s6;
	s6 =	sadd.s32 s12, s1  }
0x14: {  	s8 =	sadd.s32 s4, s8;
	s31 =	sshrl.u32 s12, $0x3;
	s23 =	smov.u32 @p0 s24  }
0x15: {  	s16 =	ssub.s32 s7, s11;
	s7 =	sadd.s32 s12, s2;
	s11 =	sadd.s32 s0, s31  }
0x16: {  	s12 =	sadd.s32 s12, s3;
	s13 =	sadd.s32 s13, s31;
	s14 =	sadd.s32 s14, s31  }
0x17: {  	s24 =	sadd.s32 s23, s31;
	s23 =	simm.s32 $0x9000;
	s9 =	sadd.s32 s9, s15  }
0x18: {  	v0 =	vimm.f32 $1.000000000e+00;
	v1 =	vimm.f32 $0.0e+00;
	s10 =	sadd.s32 s10, s15;
	s15 =	smax.u32 s16, $0x1;
	s16 =	simm.s32 $0xA800  }
.LBB2_1:
0x19: {  	s4 =	simm.s32 $0x40;
	s30 =	simm.s32 $0x0  }
.LBB2_2:
0x1a: {  	p1 =	sne.s32 s4, $0x1F00;
	[tilespmem:s30+$0xAF80] =	vst v0;
	s30 =	smov.u32 s4;
	s4 =	sadd.s32 $0x40, s4  }
.Ltmp0:
0x1b: {  	(pc) =	sbr.rel @p1 .LBB2_2-.Ltmp0, $2  }
0x1c: {  	_ =	sdelay $0x2  }
0x1d: {  	s30 =	sshra.s32 s30, $0x2  }
0x1e: {  	[tilespmem:s30+$0xAF80] =	vst v0  }
0x1f: {  	[tilespmem:$0xA800] =	vst v1  }
0x20: {  	[tilespmem:$0xA810] =	vst v1  }
0x21: {  	[tilespmem:$0xA820] =	vst v1  }
0x22: {  	[tilespmem:$0xA830] =	vst v1  }
0x23: {  	[tilespmem:$0xA840] =	vst v1  }
0x24: {  	[tilespmem:$0xA850] =	vst v1  }
0x25: {  	[tilespmem:$0xA860] =	vst v1  }
0x26: {  	[tilespmem:$0xA870] =	vst v1  }
0x27: {  	[tilespmem:$0xA880] =	vst v1  }
0x28: {  	[tilespmem:$0xA890] =	vst v1  }
0x29: {  	[tilespmem:$0xA8A0] =	vst v1  }
0x2a: {  	[tilespmem:$0xA8B0] =	vst v1  }
0x2b: {  	[tilespmem:$0xA8C0] =	vst v1  }
0x2c: {  	[tilespmem:$0xA8D0] =	vst v1  }
0x2d: {  	[tilespmem:$0xA8E0] =	vst v1  }
0x2e: {  	[tilespmem:$0xA8F0] =	vst v1  }
0x2f: {  	[tilespmem:$0xA900] =	vst v1  }
0x30: {  	[tilespmem:$0xA910] =	vst v1  }
0x31: {  	[tilespmem:$0xA920] =	vst v1  }
0x32: {  	[tilespmem:$0xA930] =	vst v1  }
0x33: {  	[tilespmem:$0xA940] =	vst v1  }
0x34: {  	[tilespmem:$0xA950] =	vst v1  }
0x35: {  	[tilespmem:$0xA960] =	vst v1  }
0x36: {  	[tilespmem:$0xA970] =	vst v1  }
0x37: {  	[tilespmem:$0xA980] =	vst v1  }
0x38: {  	[tilespmem:$0xA990] =	vst v1  }
0x39: {  	[tilespmem:$0xA9A0] =	vst v1  }
0x3a: {  	[tilespmem:$0xA9B0] =	vst v1  }
0x3b: {  	[tilespmem:$0xA9C0] =	vst v1  }
0x3c: {  	[tilespmem:$0xA9D0] =	vst v1  }
0x3d: {  	[tilespmem:$0xA9E0] =	vst v1  }
0x3e: {  	[tilespmem:$0xA9F0] =	vst v1  }
0x3f: {  	[tilespmem:$0xAA00] =	vst v1  }
0x40: {  	[tilespmem:$0xAA10] =	vst v1  }
0x41: {  	[tilespmem:$0xAA20] =	vst v1  }
0x42: {  	[tilespmem:$0xAA30] =	vst v1  }
0x43: {  	[tilespmem:$0xAA40] =	vst v1  }
0x44: {  	[tilespmem:$0xAA50] =	vst v1  }
0x45: {  	[tilespmem:$0xAA60] =	vst v1  }
0x46: {  	[tilespmem:$0xAA70] =	vst v1  }
0x47: {  	[spmem:s6] =	stream.linear.scatter [tilespmem:s16], [sflag:$0x2], $0x280, $0x38;
	[tilespmem:$0xBF00] =	vst v63  }
0x48: {  	_ =	swait.ge [sflag:s17], $0x280  }
0x49: {  	[sflag:s17] =	ssyncset.done $0x0  }
0x4a: {  	[sflag:s17] =	ssyncadd.s32 $0xFFFFFD80  }
0x4b: {  	[spmem:s7] =	stream.linear.scatter [tilespmem:s16], [sflag:$0x2], $0x280, $0x38;
	[tilespmem:$0xBF00] =	vst v63  }
0x4c: {  	_ =	swait.ge [sflag:s17], $0x280  }
0x4d: {  	[sflag:s17] =	ssyncset.done $0x0  }
0x4e: {  	s4 =	simm.s32 $0x0;
	[sflag:s17] =	ssyncadd.s32 $0xFFFFFD80  }
0x4f: {  	[tilespmem:s4], [sflag:$0x2] =	stream.linear.gather [hbm4b:s8+s4], $0x5000, $0x38;
	[tilespmem:$0xBF00] =	vst v63  }
0x50: {  	_ =	swait.ge [sflag:s17], $0x5000  }
0x51: {  	[sflag:s17] =	ssyncset.done $0x0  }
0x52: {  	[sflag:s17] =	ssyncadd.s32 $0xFFFFB000  }
0x53: {  	[tilespmem:s18], [sflag:$0x2] =	stream.linear.gather [hbm4b:s9+s4], $0x2800, $0x38;
	[tilespmem:$0xBF00] =	vst v63  }
0x54: {  	_ =	swait.ge [sflag:s17], $0x2800  }
0x55: {  	[sflag:s17] =	ssyncset.done $0x0  }
0x56: {  	[sflag:s17] =	ssyncadd.s32 $0xFFFFD800  }
0x57: {  	[tilespmem:s19], [sflag:$0x2] =	stream.linear.gather [hbm4b:s10+s4], $0x2800, $0x38;
	[tilespmem:$0xBF00] =	vst v63  }
0x58: {  	_ =	swait.ge [sflag:s17], $0x2800  }
0x59: {  	[sflag:s17] =	ssyncset.done $0x0  }
0x5a: {  	[sflag:s17] =	ssyncadd.s32 $0xFFFFD800  }
0x5b: {  	[tilespmem:s20], [sflag:$0x2] =	stream.linear.gather [hbm4b:s11+s4], $0x280, $0x38;
	[tilespmem:$0xBF00] =	vst v63  }
0x5c: {  	_ =	swait.ge [sflag:s17], $0x280  }
0x5d: {  	[sflag:s17] =	ssyncset.done $0x0  }
0x5e: {  	[sflag:s17] =	ssyncadd.s32 $0xFFFFFD80  }
0x5f: {  	[bflag:$0x0] =	sbarrier.arrive $0xFFFF  }
0x60: {  	[spmem:s1] =	stream.indirect.scatter.add.f32 [tilespmem:s22], [sflag:$0x2], $0x1, s4, s21, $0xb8;
	[tilespmem:$0xBF00] =	vst v63  }
0x61: {  	_ =	swait.ge [sflag:s17], $0x7D0  }
0x62: {  	[sflag:s17] =	ssyncset.done $0x0  }
0x63: {  	s0 =	simm.s32 $0x800;
	[sflag:s17] =	ssyncadd.s32 $0xFFFFF830  }
0x64: {  	[spmem:s1] =	stream.indirect.scatter.add.f32 [tilespmem:s22], [sflag:$0x2], $0x1, s0, s21, $0xb8;
	[tilespmem:$0xBF00] =	vst v63  }
0x65: {  	_ =	swait.ge [sflag:s17], $0x7D0  }
0x66: {  	[sflag:s17] =	ssyncset.done $0x0  }
0x67: {  	s4 =	simm.s32 $0x1000;
	[sflag:s17] =	ssyncadd.s32 $0xFFFFF830  }
0x68: {  	[spmem:s1] =	stream.indirect.scatter.add.f32 [tilespmem:s22], [sflag:$0x2], $0x1, s4, s21, $0xb8;
	[tilespmem:$0xBF00] =	vst v63  }
0x69: {  	_ =	swait.ge [sflag:s17], $0x7D0  }
0x6a: {  	[sflag:s17] =	ssyncset.done $0x0  }
0x6b: {  	s4 =	simm.s32 $0x1800;
	[sflag:s17] =	ssyncadd.s32 $0xFFFFF830  }
0x6c: {  	[spmem:s1] =	stream.indirect.scatter.add.f32 [tilespmem:s22], [sflag:$0x2], $0x1, s4, s21, $0xb8;
	[tilespmem:$0xBF00] =	vst v63  }
0x6d: {  	_ =	swait.ge [sflag:s17], $0x7D0  }
0x6e: {  	[sflag:s17] =	ssyncset.done $0x0  }
0x6f: {  	s4 =	simm.s32 $0x2000;
	[sflag:s17] =	ssyncadd.s32 $0xFFFFF830  }
0x70: {  	[spmem:s1] =	stream.indirect.scatter.add.f32 [tilespmem:s22], [sflag:$0x2], $0x1, s4, s21, $0xb8;
	[tilespmem:$0xBF00] =	vst v63  }
0x71: {  	_ =	swait.ge [sflag:s17], $0x7D0  }
0x72: {  	[sflag:s17] =	ssyncset.done $0x0  }
0x73: {  	s4 =	simm.s32 $0x2800;
	[sflag:s17] =	ssyncadd.s32 $0xFFFFF830  }
0x74: {  	[spmem:s1] =	stream.indirect.scatter.add.f32 [tilespmem:s22], [sflag:$0x2], $0x1, s4, s21, $0xb8;
	[tilespmem:$0xBF00] =	vst v63  }
0x75: {  	_ =	swait.ge [sflag:s17], $0x7D0  }
0x76: {  	[sflag:s17] =	ssyncset.done $0x0  }
0x77: {  	s4 =	simm.s32 $0x3000;
	[sflag:s17] =	ssyncadd.s32 $0xFFFFF830  }
0x78: {  	[spmem:s1] =	stream.indirect.scatter.add.f32 [tilespmem:s22], [sflag:$0x2], $0x1, s4, s21, $0xb8;
	[tilespmem:$0xBF00] =	vst v63  }
0x79: {  	_ =	swait.ge [sflag:s17], $0x7D0  }
0x7a: {  	[sflag:s17] =	ssyncset.done $0x0  }
0x7b: {  	s4 =	simm.s32 $0x3800;
	[sflag:s17] =	ssyncadd.s32 $0xFFFFF830  }
0x7c: {  	[spmem:s1] =	stream.indirect.scatter.add.f32 [tilespmem:s22], [sflag:$0x2], $0x1, s4, s21, $0xb8;
	[tilespmem:$0xBF00] =	vst v63  }
0x7d: {  	_ =	swait.ge [sflag:s17], $0x7D0  }
0x7e: {  	[sflag:s17] =	ssyncset.done $0x0  }
0x7f: {  	s4 =	simm.s32 $0x4000;
	[sflag:s17] =	ssyncadd.s32 $0xFFFFF830  }
0x80: {  	[spmem:s1] =	stream.indirect.scatter.add.f32 [tilespmem:s22], [sflag:$0x2], $0x1, s4, s21, $0xb8;
	[tilespmem:$0xBF00] =	vst v63  }
0x81: {  	_ =	swait.ge [sflag:s17], $0x7D0  }
0x82: {  	[sflag:s17] =	ssyncset.done $0x0  }
0x83: {  	s4 =	simm.s32 $0x4800;
	[sflag:s17] =	ssyncadd.s32 $0xFFFFF830  }
0x84: {  	[spmem:s1] =	stream.indirect.scatter.add.f32 [tilespmem:s22], [sflag:$0x2], $0x1, s4, s21, $0xb8;
	[tilespmem:$0xBF00] =	vst v63  }
0x85: {  	_ =	swait.ge [sflag:s17], $0x7D0  }
0x86: {  	[sflag:s17] =	ssyncset.done $0x0  }
0x87: {  	[sflag:s17] =	ssyncadd.s32 $0xFFFFF830  }
0x88: {  	s4 =	simm.s32 $0xAD00;
	[bflag:$0x0] =	sbarrier.arrive $0xFFFF  }
0x89: {  	[tilespmem:s4], [sflag:$0x2] =	stream.linear.gather [spmem:s6], $0x280, $0x38;
	[tilespmem:$0xBF00] =	vst v63  }
0x8a: {  	_ =	swait.ge [sflag:s17], $0x280  }
0x8b: {  	[sflag:s17] =	ssyncset.done $0x0  }
0x8c: {  	s30 =	simm.s32 $0x0;
	[sflag:s17] =	ssyncadd.s32 $0xFFFFFD80  }
0x8d: {  	v2 =	vld [tilespmem:s30+$0xAD00];
	_ =	sdelay $0x4  }
0x8e: {  	v2 =	vadd.f32 $1.000000000e+00, v2;
	_ =	sdelay $0x1  }
0x8f: {  	v3 =	vshrl.u32 v2, $0x1;
	v2 =	vmul.f32 $5.000000000e-01, v2  }
0x90: {  	v3 =	vsub.s32 $0x5F3759DF, v3  }
0x91: {  	v4 =	vmul.f32 v3, v2;
	_ =	sdelay $0x1  }
0x92: {  	v4 =	vmul.f32 v3, v4;
	_ =	sdelay $0x1  }
0x93: {  	v4 =	vsub.f32 $1.500000000e+00, v4;
	_ =	sdelay $0x1  }
0x94: {  	v3 =	vmul.f32 v3, v4;
	_ =	sdelay $0x1  }
0x95: {  	v4 =	vmul.f32 v3, v2;
	_ =	sdelay $0x1  }
0x96: {  	v4 =	vmul.f32 v4, v3;
	_ =	sdelay $0x1  }
0x97: {  	v4 =	vsub.f32 $1.500000000e+00, v4;
	_ =	sdelay $0x1  }
0x98: {  	v3 =	vmul.f32 v4, v3;
	_ =	sdelay $0x1  }
0x99: {  	v2 =	vmul.f32 v3, v2;
	_ =	sdelay $0x1  }
0x9a: {  	v2 =	vmul.f32 v2, v3;
	_ =	sdelay $0x1  }
0x9b: {  	v4 =	vsub.f32 $1.500000000e+00, v2;
	v2 =	vld [tilespmem:s30+$0xAA80];
	_ =	sdelay $0x2  }
0x9c: {  	s31 =	simm.s32 $0x40;
	s4 =	simm.s32 $0x80;
	v3 =	vmul.f32 v4, v3  }
.LBB2_4:
0x9d: {  	p1 =	sne.s32 s4, $0x9C0  }
0x9e: {  	s0 =	sshra.s32 s31, $0x2;
	s31 =	smov.u32 s4;
	[tilespmem:s30+$0xAD00] =	vst v3;
	v2 =	vmul.f32 v3, v2  }
0x9f: {  	v3 =	vld [tilespmem:s0+$0xAD00]  }
0xa0: {  	[tilespmem:s30+$0xAA80] =	vst v2;
	s30 =	smov.u32 s0;
	_ =	sdelay $0x3  }
0xa1: {  	v2 =	vadd.f32 $1.000000000e+00, v3;
	_ =	sdelay $0x1  }
0xa2: {  	v3 =	vshrl.u32 v2, $0x1;
	v2 =	vmul.f32 $5.000000000e-01, v2  }
0xa3: {  	v3 =	vsub.s32 $0x5F3759DF, v3  }
0xa4: {  	v4 =	vmul.f32 v3, v2;
	_ =	sdelay $0x1  }
0xa5: {  	v4 =	vmul.f32 v3, v4;
	_ =	sdelay $0x1  }
0xa6: {  	v4 =	vsub.f32 $1.500000000e+00, v4;
	_ =	sdelay $0x1  }
0xa7: {  	v3 =	vmul.f32 v3, v4;
	_ =	sdelay $0x1  }
0xa8: {  	v4 =	vmul.f32 v3, v2;
	_ =	sdelay $0x1  }
0xa9: {  	v4 =	vmul.f32 v4, v3;
	_ =	sdelay $0x1  }
0xaa: {  	v4 =	vsub.f32 $1.500000000e+00, v4;
	_ =	sdelay $0x1  }
0xab: {  	v3 =	vmul.f32 v4, v3;
	_ =	sdelay $0x1  }
0xac: {  	v2 =	vmul.f32 v3, v2;
	_ =	sdelay $0x1  }
.Ltmp1:
0xad: {  	v4 =	vmul.f32 v2, v3;
	(pc) =	sbr.rel @p1 .LBB2_4-.Ltmp1, $3  }
0xae: {  	v2 =	vld [tilespmem:s30+$0xAA80]  }
0xaf: {  	v4 =	vsub.f32 $1.500000000e+00, v4;
	_ =	sdelay $0x1  }
0xb0: {  	s4 =	sadd.s32 $0x40, s4;
	v3 =	vmul.f32 v4, v3  }
0xb1: {  	_ = 	snop  }
0xb2: {  	s0 =	sshra.s32 s31, $0x2;
	[tilespmem:s30+$0xAD00] =	vst v3  }
0xb3: {  	v4 =	vld [tilespmem:s0+$0xAD00];
	_ =	sdelay $0x4  }
0xb4: {  	v4 =	vadd.f32 $1.000000000e+00, v4;
	_ =	sdelay $0x1  }
0xb5: {  	v5 =	vshrl.u32 v4, $0x1;
	v4 =	vmul.f32 $5.000000000e-01, v4  }
0xb6: {  	v5 =	vsub.s32 $0x5F3759DF, v5  }
0xb7: {  	v6 =	vmul.f32 v5, v4;
	_ =	sdelay $0x1  }
0xb8: {  	v6 =	vmul.f32 v5, v6;
	_ =	sdelay $0x1  }
0xb9: {  	v6 =	vsub.f32 $1.500000000e+00, v6;
	_ =	sdelay $0x1  }
0xba: {  	v5 =	vmul.f32 v5, v6;
	_ =	sdelay $0x1  }
0xbb: {  	v6 =	vmul.f32 v5, v4;
	_ =	sdelay $0x1  }
0xbc: {  	v6 =	vmul.f32 v6, v5;
	_ =	sdelay $0x1  }
0xbd: {  	v6 =	vsub.f32 $1.500000000e+00, v6;
	_ =	sdelay $0x1  }
0xbe: {  	v5 =	vmul.f32 v6, v5;
	_ =	sdelay $0x1  }
0xbf: {  	v2 =	vmul.f32 v3, v2;
	v3 =	vmul.f32 v5, v4;
	_ =	sdelay $0x1  }
0xc0: {  	[tilespmem:s30+$0xAA80] =	vst v2;
	v2 =	vmul.f32 v3, v5  }
0xc1: {  	v3 =	vld [tilespmem:s0+$0xAA80]  }
0xc2: {  	v2 =	vsub.f32 $1.500000000e+00, v2;
	_ =	sdelay $0x1  }
0xc3: {  	v2 =	vmul.f32 v2, v5;
	_ =	sdelay $0x1  }
0xc4: {  	v3 =	vmul.f32 v2, v3  }
0xc5: {  	[tilespmem:s0+$0xAD00] =	vst v2  }
0xc6: {  	[tilespmem:s0+$0xAA80] =	vst v3  }
0xc7: {  	[spmem:s12] =	stream.linear.scatter [tilespmem:s20], [sflag:$0x2], $0x280, $0x38;
	[tilespmem:$0xBF00] =	vst v63  }
0xc8: {  	_ =	swait.ge [sflag:s17], $0x280  }
0xc9: {  	[sflag:s17] =	ssyncset.done $0x0  }
0xca: {  	s4 =	simm.s32 @!p0 $0xAD00;
	s0 =	simm.s32 @!p0 $0x0;
	[sflag:s17] =	ssyncadd.s32 $0xFFFFFD80  }
0xcb: {  	[hbm4b:s13+s0] =	stream.linear.scatter @!p0 [tilespmem:s4], [sflag:$0x2], $0x280, $0x38;
	[tilespmem:$0xBF00] =	vst v63  }
0xcc: {  	s4 =	simm.s32 @!p0 $0x2  }
0xcd: {  	_ =	swait.ge @!p0 [sflag:s4], $0x280  }
0xce: {  	[sflag:s4] =	ssyncset.done @!p0 $0x0  }
0xcf: {  	s30 =	simm.s32 @!p0 $0xAA80;
	[sflag:s4] =	ssyncadd.s32 @!p0 $0xFFFFFD80  }
0xd0: {  	[hbm4b:s14+s0] =	stream.linear.scatter @!p0 [tilespmem:s30], [sflag:$0x2], $0x280, $0x38;
	[tilespmem:$0xBF00] =	vst v63  }
0xd1: {  	_ =	swait.ge @!p0 [sflag:s4], $0x280  }
0xd2: {  	[sflag:s4] =	ssyncset.done @!p0 $0x0  }
0xd3: {  	[sflag:s4] =	ssyncadd.s32 @!p0 $0xFFFFFD80  }
0xd4: {  	[bflag:$0x0] =	sbarrier.arrive $0xFFFF  }
0xd5: {  	[tilespmem:s26], [sflag:$0x1] =	stream.indirect.gather [spmem:s3], $0x1, s18, s21, $0xb8;
	[tilespmem:$0xBF00] =	vst v63  }
0xd6: {  	_ =	swait.ge [sflag:s28], $0x7D0  }
0xd7: {  	[sflag:s28] =	ssyncset.done $0x0  }
0xd8: {  	[sflag:s28] =	ssyncadd.s32 $0xFFFFF830  }
0xd9: {  	[spmem:s2] =	stream.indirect.scatter.add.f32 [tilespmem:s26], [sflag:$0x2], $0x1, s19, s21, $0xb8;
	[tilespmem:$0xBF00] =	vst v63  }
0xda: {  	_ =	swait.ge [sflag:s17], $0x7D0  }
0xdb: {  	[sflag:s17] =	ssyncset.done $0x0  }
0xdc: {  	s31 =	simm.s32 $0x5800;
	[sflag:s17] =	ssyncadd.s32 $0xFFFFF830  }
0xdd: {  	[tilespmem:s26], [sflag:$0x1] =	stream.indirect.gather [spmem:s3], $0x1, s31, s21, $0xb8;
	[tilespmem:$0xBF00] =	vst v63  }
0xde: {  	_ =	swait.ge [sflag:s28], $0x7D0  }
0xdf: {  	[sflag:s28] =	ssyncset.done $0x0  }
0xe0: {  	s4 =	simm.s32 $0x8000;
	[sflag:s28] =	ssyncadd.s32 $0xFFFFF830  }
0xe1: {  	[spmem:s2] =	stream.indirect.scatter.add.f32 [tilespmem:s26], [sflag:$0x2], $0x1, s4, s21, $0xb8;
	[tilespmem:$0xBF00] =	vst v63  }
0xe2: {  	_ =	swait.ge [sflag:s17], $0x7D0  }
0xe3: {  	[sflag:s17] =	ssyncset.done $0x0  }
0xe4: {  	s30 =	simm.s32 $0x6000;
	[sflag:s17] =	ssyncadd.s32 $0xFFFFF830  }
0xe5: {  	[tilespmem:s26], [sflag:$0x1] =	stream.indirect.gather [spmem:s3], $0x1, s30, s21, $0xb8;
	[tilespmem:$0xBF00] =	vst v63  }
0xe6: {  	_ =	swait.ge [sflag:s28], $0x7D0  }
0xe7: {  	[sflag:s28] =	ssyncset.done $0x0  }
0xe8: {  	s31 =	simm.s32 $0x8800;
	[sflag:s28] =	ssyncadd.s32 $0xFFFFF830  }
0xe9: {  	[spmem:s2] =	stream.indirect.scatter.add.f32 [tilespmem:s26], [sflag:$0x2], $0x1, s31, s21, $0xb8;
	[tilespmem:$0xBF00] =	vst v63  }
0xea: {  	_ =	swait.ge [sflag:s17], $0x7D0  }
0xeb: {  	[sflag:s17] =	ssyncset.done $0x0  }
0xec: {  	s4 =	simm.s32 $0x6800;
	[sflag:s17] =	ssyncadd.s32 $0xFFFFF830  }
0xed: {  	[tilespmem:s26], [sflag:$0x1] =	stream.indirect.gather [spmem:s3], $0x1, s4, s21, $0xb8;
	[tilespmem:$0xBF00] =	vst v63  }
0xee: {  	_ =	swait.ge [sflag:s28], $0x7D0  }
0xef: {  	[sflag:s28] =	ssyncset.done $0x0  }
0xf0: {  	[sflag:s28] =	ssyncadd.s32 $0xFFFFF830  }
0xf1: {  	[spmem:s2] =	stream.indirect.scatter.add.f32 [tilespmem:s26], [sflag:$0x2], $0x1, s23, s21, $0xb8;
	[tilespmem:$0xBF00] =	vst v63  }
0xf2: {  	_ =	swait.ge [sflag:s17], $0x7D0  }
0xf3: {  	[sflag:s17] =	ssyncset.done $0x0  }
0xf4: {  	[sflag:s17] =	ssyncadd.s32 $0xFFFFF830  }
0xf5: {  	[tilespmem:s26], [sflag:$0x1] =	stream.indirect.gather [spmem:s3], $0x1, s25, s21, $0xb8;
	[tilespmem:$0xBF00] =	vst v63  }
0xf6: {  	_ =	swait.ge [sflag:s28], $0x7D0  }
0xf7: {  	[sflag:s28] =	ssyncset.done $0x0  }
0xf8: {  	[sflag:s28] =	ssyncadd.s32 $0xFFFFF830  }
0xf9: {  	[spmem:s2] =	stream.indirect.scatter.add.f32 [tilespmem:s26], [sflag:$0x2], $0x1, s29, s21, $0xb8;
	[tilespmem:$0xBF00] =	vst v63  }
0xfa: {  	s30 =	stileid.u32;
	_ =	swait.ge [sflag:s17], $0x7D0  }
0xfb: {  	s5 =	sadd.s32 $0x1, s5;
	s0 =	sshll.u32 s30, $0x6;
	[sflag:s17] =	ssyncset.done $0x0  }
0xfc: {  	p1 =	sne.s32 s5, s15;
	s0 =	sor.u32 $0x1C02, s0;
	[sflag:s17] =	ssyncadd.s32 $0xFFFFF830  }
.Ltmp2:
0xfd: {  	s31 =	sshrl.u32 s7, $0x3;
	[bflag:$0x0] =	sbarrier.arrive $0xFFFF;
	(pc) =	sbr.rel @p1 .LBB2_1-.Ltmp2, $4  }
0xfe: {  	[hbm:s24], [sflag:s0] =	dma.local [spmem:s31], $0x50  }
0xff: {  	_ =	swait.ge [sflag:s17], $0x50  }
0x100: {  	[sflag:s17] =	ssyncset.done $0x0  }
0x101: {  	[sflag:s17] =	ssyncadd.s32 $0xFFFFFFB0  }
0x102: {  	_ =	sfence.sel $0x180000  }
0x103: {  	[bflag:$0x0] =	sbarrier.arrive $0xFFFF  }
0x104: {  	_ =	strace $0x90000047  }
0x105: {  	s0 =	stileid.u32;
	[bflag:$0x2] =	sbarrier.arrive $0xFFFF  }
0x106: {  	p0 =	sne.s32 s0, $0x0;
	s0 =	rddreg [dreg:$0xb]  }
0x107: {  	s0 =	sadd.s32 @!p0 $0x100000, s0  }
0x108: {  	[sflag:s0] =	ssyncadd.tile.s32 @!p0 $0x1;
	_ =	shalt  }
.Lfunc_end2:
_tile_overlayer_lowered:
.L_overlay_start_2:
0x109: {  	(tag) =	ssettag $0x2  }
0x10a: {  	s0 =	rddreg [dreg:$0x0];
	s2 =	stileid.u32  }
0x10b: {  	s1 =	rddreg [dreg:$0x1];
	p0 =	sne.s32 s2, $0x0  }
0x10c: {  	s3 =	rddreg [dreg:$0x2];
	[bflag:$0x3] =	sbarrier.arrive $0xFFFF;
	s2 =	simm.s32 @!p0 $0x1C02  }
0x10d: {  	[timem:s3], [sflag:s2] =	dma.local @!p0 [hbm:s0], s1  }
0x10e: {  	s0 =	simm.s32 @!p0 $0x2  }
0x10f: {  	_ =	swait.ge @!p0 [sflag:s0], s1  }
0x110: {  	s1 =	ssub.s32 @!p0 $0x0, s1;
	[sflag:s0] =	ssyncset.done @!p0 $0x0  }
0x111: {  	[sflag:s0] =	ssyncadd.s32 @!p0 s1  }
0x112: {  	[bflag:$0x3] =	sbarrier.arrive $0xFFFF  }
0x113: {  	_ =	shalt  }

</sc_bundles>
